<compile_context>
chip_gen: v7x
topology: tpu7x:2x2x1
jax: 0.10.2.dev20260603
libtpu: 0.0.44.dev20260713+nightly
codegen_flags: <defaults>
</compile_context>

<pallas_src>
import functools

import jax
import jax.numpy as jnp
from jax import lax
from jax.experimental import pallas as pl
from jax.experimental.pallas import tpu as pltpu
from jax.experimental.pallas import tpu_sc as plsc

_CHUNK = 128
_UCHUNKS = 2
_RING = 2
_SUPER = 4


def _sc_gather(table3d, idx2d):
    nb, ntab, d = table3d.shape
    n_chunks, chunk = idx2d.shape
    rows = n_chunks * chunk
    urows = _UCHUNKS * chunk
    chunks_per_b = rows // nb // chunk
    units_per_b = chunks_per_b // _UCHUNKS
    info = plsc.get_sparse_core_info()
    nc, ns = info.num_cores, info.num_subcores
    nw = nc * ns
    chunks_per_w = n_chunks // nw
    rows_per_w = chunks_per_w * chunk
    b_per_w = nb // nw
    n_units = chunks_per_w // _UCHUNKS
    mesh = plsc.VectorSubcoreMesh(core_axis_name="c", subcore_axis_name="s")

    @functools.partial(
        pl.kernel,
        mesh=mesh,
        out_type=jax.ShapeDtypeStruct((rows, d), jnp.float32),
        scratch_types=[
            pltpu.VMEM((chunks_per_w, chunk), jnp.int32),
        ]
        + [pltpu.VMEM((urows, d), jnp.float32) for _ in range(_RING)]
        + [pltpu.VMEM_SHARED((ns, 2, ntab, d), jnp.float32)]
        + [pltpu.SemaphoreType.DMA for _ in range(8)],
    )
    def k(table_hbm, idx_hbm, out_hbm, idx_v, *rest):
        ubufs = rest[:_RING]
        spm = rest[_RING]
        gsems = [rest[3 + 2 * r: 5 + 2 * r] for r in range(_RING)]
        wsems = rest[7:9]
        tsems = rest[9:11]
        cid = lax.axis_index("c")
        sid = lax.axis_index("s")
        wid = sid * nc + cid
        cbase = wid * chunks_per_w
        base = wid * rows_per_w
        bbase = wid * b_per_w

        def stage(bl, slot):
            return pltpu.make_async_copy(
                table_hbm.at[bbase + bl], spm.at[sid, slot], tsems[slot])

        def gather(c, r, h, slot):
            return pltpu.make_async_copy(
                spm.at[sid, slot].at[idx_v.at[c]],
                ubufs[r].at[pl.ds(h * chunk, chunk)], gsems[r][h])

        def write(u, r):
            return pltpu.make_async_copy(
                ubufs[r], out_hbm.at[pl.ds(base + u * urows, urows)],
                wsems[r])

        def unit(u, t):
            r = t % _RING
            sslot = (t // units_per_b) % 2
            bl = u // units_per_b
            if t % units_per_b == 0:
                stage(bl, sslot).wait()

            @pl.when(u >= _RING)
            def _():
                write(u - _RING, r).wait()

            for h in range(_UCHUNKS):
                gather(u * _UCHUNKS + h, r, h, sslot).start()
            for h in range(_UCHUNKS):
                gather(u * _UCHUNKS + h, r, h, sslot).wait()
            write(u, r).start()
            if t % units_per_b == units_per_b - 1:
                @pl.when(bl + 2 < b_per_w)
                def _():
                    stage(bl + 2, sslot).start()

        stage(0, 0).start()
        stage(1, 1).start()
        pltpu.sync_copy(idx_hbm.at[pl.ds(cbase, chunks_per_w)], idx_v)

        def body(i, carry):
            for t in range(_SUPER):
                unit(i * _SUPER + t, t)
            return carry

        lax.fori_loop(0, n_units // _SUPER, body, 0)
        for t in range(_RING):
            u = n_units - _RING + t
            write(u, (u % _SUPER) % _RING).wait()

    return k(table3d, idx2d)


def kernel(entity_reprs, pairs):
    b, n, d = entity_reprs.shape
    p = pairs.shape[1]
    idx = pairs.astype(jnp.int32).reshape(b * p * 2 // _CHUNK, _CHUNK)
    out = _sc_gather(entity_reprs, idx)
    return out.reshape(b, p, 2 * d)

# --- scband reference (transcript-rebuilt; emitter-appended) ---
"""Pipeline reference for scband-entity-pair-representation-cat-73598559584942 (READ-ONLY COPY).

The authoritative reference and input builder live on the scoring server;
editing this copy changes nothing except your own understanding.
"""

import jax, jax.numpy as jnp
import numpy as np


def setup_inputs(seed: int = 0) -> dict:
    key = jax.random.key(seed)
    k1, k2 = jax.random.split(key)
    entity_reprs = jax.random.normal(k1, (1024, 128, 128), dtype=jnp.float32)
    pairs = jax.random.randint(k2, (1024, 256, 2), 0, 128, dtype=jnp.int64)
    return {"entity_reprs": entity_reprs, "pairs": pairs}


def reference(entity_reprs, pairs):
    # util.batch_index: per-batch gather of entity representations by pair indices
    # entity_reprs: [B, N, d], pairs: [B, P, 2] -> entity_pairs: [B, P, 2, d]
    entity_pairs = jax.vmap(lambda er, p: jnp.take(er, p, axis=0))(entity_reprs, pairs)
    batch_size = pairs.shape[0]
    entity_pair_repr = entity_pairs.reshape(batch_size, entity_pairs.shape[1], -1)
    return entity_pair_repr

if __name__ == "__main__":
    import jax
    _d = setup_inputs()
    print(jax.jit(kernel)(*tuple(_d.values())))

</pallas_src>

<mosaic_0001>
#map = affine_map<(d0, d1) -> (0, 0, 0)>
#map1 = affine_map<(d0, d1) -> (0, 0)>
module attributes {stable_mosaic.version = 14 : i64} {
  func.func @k(%arg0: i32, %arg1: i32, %arg2: memref<1024x128x128xf32, #tpu.memory_space<hbm>>, %arg3: memref<4096x128xi32, #tpu.memory_space<hbm>>, %arg4: memref<524288x128xf32, #tpu.memory_space<hbm>>, %arg5: memref<128x128xi32, #tpu.memory_space<vmem>>, %arg6: memref<256x128xf32, #tpu.memory_space<vmem>>, %arg7: memref<256x128xf32, #tpu.memory_space<vmem>>, %arg8: memref<16x2x128x128xf32, #tpu.memory_space<vmem_shared>>, %arg9: memref<!tpu.dma_semaphore, #tpu.memory_space<semaphore_mem>>, %arg10: memref<!tpu.dma_semaphore, #tpu.memory_space<semaphore_mem>>, %arg11: memref<!tpu.dma_semaphore, #tpu.memory_space<semaphore_mem>>, %arg12: memref<!tpu.dma_semaphore, #tpu.memory_space<semaphore_mem>>, %arg13: memref<!tpu.dma_semaphore, #tpu.memory_space<semaphore_mem>>, %arg14: memref<!tpu.dma_semaphore, #tpu.memory_space<semaphore_mem>>, %arg15: memref<!tpu.dma_semaphore, #tpu.memory_space<semaphore_mem>>, %arg16: memref<!tpu.dma_semaphore, #tpu.memory_space<semaphore_mem>>) attributes {dimension_semantics = [#tpu.dimension_semantics<core_parallel>, #tpu.dimension_semantics<subcore_parallel>], iteration_bounds = array<i64: 2, 16>, scalar_prefetch = 0 : i64, scratch_operands = 12 : i64, tpu.core_type = #tpu.core_type<sc_vector_subcore>, window_params = [{transform_indices = #map}, {transform_indices = #map1}, {transform_indices = #map1}]} {
    %mul3A = arith.constant 2 : i32
    %mul3A_0 = arith.muli %arg1, %mul3A : i32
    %add3A = arith.addi %mul3A_0, %arg0 : i32
    %mul3A_1 = arith.constant 128 : i32
    %mul3A_2 = arith.muli %add3A, %mul3A_1 : i32
    %mul3A_3 = arith.constant 16384 : i32
    %mul3A_4 = arith.muli %add3A, %mul3A_3 : i32
    %mul3A_5 = arith.constant 32 : i32
    %mul3A_6 = arith.muli %add3A, %mul3A_5 : i32
    %add3A_7 = arith.constant 0 : i32
    %add3A_8 = arith.addi %mul3A_6, %add3A_7 : i32
    %dma_start3A = arith.constant 0 : i32
    %dma_start3A_9 = arith.constant 0 : i32
    %dma_start3A_10 = arith.constant 0 : i32
    %dma_start3A_11 = tpu.memref_slice %arg8[%arg1, %dma_start3A, %dma_start3A_9, %dma_start3A_10] : memref<16x2x128x128xf32, #tpu.memory_space<vmem_shared>> -> memref<1x1x128x128xf32, #tpu.memory_space<vmem_shared>>
    %dma_start3A_12 = tpu.memref_squeeze %dma_start3A_11 : memref<1x1x128x128xf32, #tpu.memory_space<vmem_shared>> -> memref<128x128xf32, #tpu.memory_space<vmem_shared>>
    %dma_start3A_13 = arith.constant 0 : i32
    %dma_start3A_14 = arith.constant 0 : i32
    %dma_start3A_15 = tpu.memref_slice %arg2[%add3A_8, %dma_start3A_13, %dma_start3A_14] : memref<1024x128x128xf32, #tpu.memory_space<hbm>> -> memref<1x128x128xf32, #tpu.memory_space<hbm>>
    %dma_start3A_16 = tpu.memref_squeeze %dma_start3A_15 : memref<1x128x128xf32, #tpu.memory_space<hbm>> -> memref<128x128xf32, #tpu.memory_space<hbm>>
    tpu.enqueue_dma source(%dma_start3A_16 : memref<128x128xf32, #tpu.memory_space<hbm>>) target(%dma_start3A_12 : memref<128x128xf32, #tpu.memory_space<vmem_shared>>) target_semaphore(%arg15 : memref<!tpu.dma_semaphore, #tpu.memory_space<semaphore_mem>>)
    %add3A_17 = arith.constant 1 : i32
    %add3A_18 = arith.addi %mul3A_6, %add3A_17 : i32
    %dma_start3A_19 = arith.constant 1 : i32
    %dma_start3A_20 = arith.constant 0 : i32
    %dma_start3A_21 = arith.constant 0 : i32
    %dma_start3A_22 = tpu.memref_slice %arg8[%arg1, %dma_start3A_19, %dma_start3A_20, %dma_start3A_21] : memref<16x2x128x128xf32, #tpu.memory_space<vmem_shared>> -> memref<1x1x128x128xf32, #tpu.memory_space<vmem_shared>>
    %dma_start3A_23 = tpu.memref_squeeze %dma_start3A_22 : memref<1x1x128x128xf32, #tpu.memory_space<vmem_shared>> -> memref<128x128xf32, #tpu.memory_space<vmem_shared>>
    %dma_start3A_24 = arith.constant 0 : i32
    %dma_start3A_25 = arith.constant 0 : i32
    %dma_start3A_26 = tpu.memref_slice %arg2[%add3A_18, %dma_start3A_24, %dma_start3A_25] : memref<1024x128x128xf32, #tpu.memory_space<hbm>> -> memref<1x128x128xf32, #tpu.memory_space<hbm>>
    %dma_start3A_27 = tpu.memref_squeeze %dma_start3A_26 : memref<1x128x128xf32, #tpu.memory_space<hbm>> -> memref<128x128xf32, #tpu.memory_space<hbm>>
    tpu.enqueue_dma source(%dma_start3A_27 : memref<128x128xf32, #tpu.memory_space<hbm>>) target(%dma_start3A_23 : memref<128x128xf32, #tpu.memory_space<vmem_shared>>) target_semaphore(%arg16 : memref<!tpu.dma_semaphore, #tpu.memory_space<semaphore_mem>>)
    "tpu.region"() ({
      %run_scoped3A = tpu.sem_alloc : memref<!tpu.dma_semaphore, #tpu.memory_space<semaphore_mem>>
      %dma_start3A_44 = arith.constant 0 : i32
      %dma_start3A_45 = tpu.memref_slice %arg3[%mul3A_2, %dma_start3A_44] : memref<4096x128xi32, #tpu.memory_space<hbm>> -> memref<128x128xi32, #tpu.memory_space<hbm>>
      %dma_start3A_46 = arith.constant 0 : i32
      %dma_start3A_47 = tpu.memref_slice %arg3[%mul3A_2, %dma_start3A_46] : memref<4096x128xi32, #tpu.memory_space<hbm>> -> memref<128x128xi32, #tpu.memory_space<hbm>>
      tpu.enqueue_dma source(%dma_start3A_47 : memref<128x128xi32, #tpu.memory_space<hbm>>) target(%arg5 : memref<128x128xi32, #tpu.memory_space<vmem>>) target_semaphore(%run_scoped3A : memref<!tpu.dma_semaphore, #tpu.memory_space<semaphore_mem>>)
      %dma_wait3A_48 = arith.constant 0 : i32
      %dma_wait3A_49 = tpu.memref_slice %arg3[%mul3A_2, %dma_wait3A_48] : memref<4096x128xi32, #tpu.memory_space<hbm>> -> memref<128x128xi32, #tpu.memory_space<hbm>>
      %dma_wait3A_50 = arith.constant 0 : i32
      %dma_wait3A_51 = tpu.memref_slice %arg3[%mul3A_2, %dma_wait3A_50] : memref<4096x128xi32, #tpu.memory_space<hbm>> -> memref<128x128xi32, #tpu.memory_space<hbm>>
      tpu.wait_dma2 semaphore(%run_scoped3A : memref<!tpu.dma_semaphore, #tpu.memory_space<semaphore_mem>>) src(%dma_wait3A_51 : memref<128x128xi32, #tpu.memory_space<hbm>>) dst(%arg5 : memref<128x128xi32, #tpu.memory_space<vmem>>)
      tpu.yield
    }) : () -> ()
    %scan3A = arith.constant 0 : i32
    %scan3A_28 = arith.constant 0 : i32
    %scan3A_29 = arith.constant 16 : i32
    %scan3A_30 = arith.addi %scan3A_28, %scan3A_29 : i32
    %scan3A_31 = arith.constant 1 : i32
    scf.for %scan3A_44 = %scan3A_28 to %scan3A_30 step %scan3A_31  : i32 {
      %mul3A_45 = arith.constant 4 : i32
      %mul3A_46 = arith.muli %scan3A_44, %mul3A_45 : i32
      %add3A_47 = arith.constant 0 : i32
      %add3A_48 = arith.addi %mul3A_46, %add3A_47 : i32
      %jit3A = arith.constant 2 : i32
      %div3A = arith.divsi %add3A_48, %jit3A : i32
      %sign3A = arith.constant 0 : i32
      %sign3A_49 = arith.cmpi sgt, %add3A_48, %sign3A : i32
      %sign3A_50 = arith.extui %sign3A_49 : i1 to i32
      %sign3A_51 = arith.constant 0 : i32
      %sign3A_52 = arith.cmpi slt, %add3A_48, %sign3A_51 : i32
      %sign3A_53 = arith.extui %sign3A_52 : i1 to i32
      %sign3A_54 = arith.subi %sign3A_50, %sign3A_53 : i32
      %sign3A_55 = arith.constant 0 : i32
      %sign3A_56 = arith.cmpi sgt, %jit3A, %sign3A_55 : i32
      %sign3A_57 = arith.extui %sign3A_56 : i1 to i32
      %sign3A_58 = arith.constant 0 : i32
      %sign3A_59 = arith.cmpi slt, %jit3A, %sign3A_58 : i32
      %sign3A_60 = arith.extui %sign3A_59 : i1 to i32
      %sign3A_61 = arith.subi %sign3A_57, %sign3A_60 : i32
      %ne3A = arith.cmpi ne, %sign3A_54, %sign3A_61 : i32
      %rem3A = arith.remsi %add3A_48, %jit3A : i32
      %ne3A_62 = arith.constant 0 : i32
      %ne3A_63 = arith.cmpi ne, %rem3A, %ne3A_62 : i32
      %and3A = arith.andi %ne3A, %ne3A_63 : i1
      %sub3A = arith.constant 1 : i32
      %sub3A_64 = arith.subi %div3A, %sub3A : i32
      %select_n3A = arith.select %and3A, %sub3A_64, %div3A : i32
      %add3A_65 = arith.addi %mul3A_6, %select_n3A : i32
      %dma_wait3A_66 = arith.constant 0 : i32
      %dma_wait3A_67 = arith.constant 0 : i32
      %dma_wait3A_68 = arith.constant 0 : i32
      %dma_wait3A_69 = tpu.memref_slice %arg8[%arg1, %dma_wait3A_66, %dma_wait3A_67, %dma_wait3A_68] : memref<16x2x128x128xf32, #tpu.memory_space<vmem_shared>> -> memref<1x1x128x128xf32, #tpu.memory_space<vmem_shared>>
      %dma_wait3A_70 = tpu.memref_squeeze %dma_wait3A_69 : memref<1x1x128x128xf32, #tpu.memory_space<vmem_shared>> -> memref<128x128xf32, #tpu.memory_space<vmem_shared>>
      %dma_wait3A_71 = arith.constant 0 : i32
      %dma_wait3A_72 = arith.constant 0 : i32
      %dma_wait3A_73 = tpu.memref_slice %arg2[%add3A_65, %dma_wait3A_71, %dma_wait3A_72] : memref<1024x128x128xf32, #tpu.memory_space<hbm>> -> memref<1x128x128xf32, #tpu.memory_space<hbm>>
      %dma_wait3A_74 = tpu.memref_squeeze %dma_wait3A_73 : memref<1x128x128xf32, #tpu.memory_space<hbm>> -> memref<128x128xf32, #tpu.memory_space<hbm>>
      tpu.wait_dma2 semaphore(%arg15 : memref<!tpu.dma_semaphore, #tpu.memory_space<semaphore_mem>>) src(%dma_wait3A_74 : memref<128x128xf32, #tpu.memory_space<hbm>>) dst(%dma_wait3A_70 : memref<128x128xf32, #tpu.memory_space<vmem_shared>>)
      %ge3A = arith.constant 2 : i32
      %ge3A_75 = arith.cmpi sge, %add3A_48, %ge3A : i32
      %convert_element_type3A = arith.extui %ge3A_75 : i1 to i32
      %cond3A = arith.constant 0 : i32
      %cond3A_76 = arith.cmpi ne, %convert_element_type3A, %cond3A : i32
      scf.if %cond3A_76 {
        %sub3A_515 = arith.constant 2 : i32
        %sub3A_516 = arith.subi %add3A_48, %sub3A_515 : i32
        %mul3A_517 = arith.constant 256 : i32
        %mul3A_518 = arith.muli %sub3A_516, %mul3A_517 : i32
        %add3A_519 = arith.addi %mul3A_4, %mul3A_518 : i32
        %dma_wait3A_520 = arith.constant 0 : i32
        %dma_wait3A_521 = tpu.memref_slice %arg4[%add3A_519, %dma_wait3A_520] : memref<524288x128xf32, #tpu.memory_space<hbm>> -> memref<256x128xf32, #tpu.memory_space<hbm>>
        %dma_wait3A_522 = arith.constant 0 : i32
        %dma_wait3A_523 = tpu.memref_slice %arg4[%add3A_519, %dma_wait3A_522] : memref<524288x128xf32, #tpu.memory_space<hbm>> -> memref<256x128xf32, #tpu.memory_space<hbm>>
        tpu.wait_dma2 semaphore(%arg13 : memref<!tpu.dma_semaphore, #tpu.memory_space<semaphore_mem>>) src(%arg6 : memref<256x128xf32, #tpu.memory_space<vmem>>) dst(%dma_wait3A_523 : memref<256x128xf32, #tpu.memory_space<hbm>>)
      } else {
      }
      %mul3A_77 = arith.constant 2 : i32
      %mul3A_78 = arith.muli %add3A_48, %mul3A_77 : i32
      %add3A_79 = arith.constant 0 : i32
      %add3A_80 = arith.addi %mul3A_78, %add3A_79 : i32
      %dma_start3A_81 = arith.constant 0 : i32
      %dma_start3A_82 = arith.constant 0 : i32
      %dma_start3A_83 = arith.constant 0 : i32
      %dma_start3A_84 = tpu.memref_slice %arg6[%dma_start3A_82, %dma_start3A_83] : memref<256x128xf32, #tpu.memory_space<vmem>> -> memref<128x128xf32, #tpu.memory_space<vmem>>
      %dma_start3A_85 = arith.constant 0 : i32
      %dma_start3A_86 = tpu.memref_slice %arg5[%add3A_80, %dma_start3A_85] : memref<128x128xi32, #tpu.memory_space<vmem>> -> memref<1x128xi32, #tpu.memory_space<vmem>>
      %dma_start3A_87 = tpu.memref_squeeze %dma_start3A_86 : memref<1x128xi32, #tpu.memory_space<vmem>> -> memref<128xi32, #tpu.memory_space<vmem>>
      %dma_start3A_88 = arith.constant 0 : i32
      %dma_start3A_89 = arith.constant 0 : i32
      %dma_start3A_90 = tpu.memref_slice %arg8[%arg1, %dma_start3A_81, %dma_start3A_88, %dma_start3A_89] : memref<16x2x128x128xf32, #tpu.memory_space<vmem_shared>> -> memref<1x1x128x128xf32, #tpu.memory_space<vmem_shared>>
      %dma_start3A_91 = tpu.memref_squeeze %dma_start3A_90 : memref<1x1x128x128xf32, #tpu.memory_space<vmem_shared>> -> memref<128x128xf32, #tpu.memory_space<vmem_shared>>
      %dma_start3A_92 = arith.constant 0 : i32
      %dma_start3A_93 = arith.constant 0 : i32
      %dma_start3A_94 = tpu.memref_slice %dma_start3A_91[%dma_start3A_92, %dma_start3A_93] : memref<128x128xf32, #tpu.memory_space<vmem_shared>> -> memref<128x128xf32, #tpu.memory_space<vmem_shared>>
      tpu.enqueue_indirect_dma source(%dma_start3A_94 : memref<128x128xf32, #tpu.memory_space<vmem_shared>>) target(%dma_start3A_84 : memref<128x128xf32, #tpu.memory_space<vmem>>) offsets(%dma_start3A_87 : memref<128xi32, #tpu.memory_space<vmem>>) semaphore(%arg9 : memref<!tpu.dma_semaphore, #tpu.memory_space<semaphore_mem>>)
      %mul3A_95 = arith.constant 2 : i32
      %mul3A_96 = arith.muli %add3A_48, %mul3A_95 : i32
      %add3A_97 = arith.constant 1 : i32
      %add3A_98 = arith.addi %mul3A_96, %add3A_97 : i32
      %dma_start3A_99 = arith.constant 0 : i32
      %dma_start3A_100 = arith.constant 128 : i32
      %dma_start3A_101 = arith.constant 0 : i32
      %dma_start3A_102 = tpu.memref_slice %arg6[%dma_start3A_100, %dma_start3A_101] : memref<256x128xf32, #tpu.memory_space<vmem>> -> memref<128x128xf32, #tpu.memory_space<vmem>>
      %dma_start3A_103 = arith.constant 0 : i32
      %dma_start3A_104 = tpu.memref_slice %arg5[%add3A_98, %dma_start3A_103] : memref<128x128xi32, #tpu.memory_space<vmem>> -> memref<1x128xi32, #tpu.memory_space<vmem>>
      %dma_start3A_105 = tpu.memref_squeeze %dma_start3A_104 : memref<1x128xi32, #tpu.memory_space<vmem>> -> memref<128xi32, #tpu.memory_space<vmem>>
      %dma_start3A_106 = arith.constant 0 : i32
      %dma_start3A_107 = arith.constant 0 : i32
      %dma_start3A_108 = tpu.memref_slice %arg8[%arg1, %dma_start3A_99, %dma_start3A_106, %dma_start3A_107] : memref<16x2x128x128xf32, #tpu.memory_space<vmem_shared>> -> memref<1x1x128x128xf32, #tpu.memory_space<vmem_shared>>
      %dma_start3A_109 = tpu.memref_squeeze %dma_start3A_108 : memref<1x1x128x128xf32, #tpu.memory_space<vmem_shared>> -> memref<128x128xf32, #tpu.memory_space<vmem_shared>>
      %dma_start3A_110 = arith.constant 0 : i32
      %dma_start3A_111 = arith.constant 0 : i32
      %dma_start3A_112 = tpu.memref_slice %dma_start3A_109[%dma_start3A_110, %dma_start3A_111] : memref<128x128xf32, #tpu.memory_space<vmem_shared>> -> memref<128x128xf32, #tpu.memory_space<vmem_shared>>
      tpu.enqueue_indirect_dma source(%dma_start3A_112 : memref<128x128xf32, #tpu.memory_space<vmem_shared>>) target(%dma_start3A_102 : memref<128x128xf32, #tpu.memory_space<vmem>>) offsets(%dma_start3A_105 : memref<128xi32, #tpu.memory_space<vmem>>) semaphore(%arg10 : memref<!tpu.dma_semaphore, #tpu.memory_space<semaphore_mem>>)
      %mul3A_113 = arith.constant 2 : i32
      %mul3A_114 = arith.muli %add3A_48, %mul3A_113 : i32
      %add3A_115 = arith.constant 0 : i32
      %add3A_116 = arith.addi %mul3A_114, %add3A_115 : i32
      %dma_wait3A_117 = arith.constant 0 : i32
      %dma_wait3A_118 = arith.constant 0 : i32
      %dma_wait3A_119 = arith.constant 0 : i32
      %dma_wait3A_120 = tpu.memref_slice %arg6[%dma_wait3A_118, %dma_wait3A_119] : memref<256x128xf32, #tpu.memory_space<vmem>> -> memref<128x128xf32, #tpu.memory_space<vmem>>
      %dma_wait3A_121 = arith.constant 0 : i32
      %dma_wait3A_122 = tpu.memref_slice %arg5[%add3A_116, %dma_wait3A_121] : memref<128x128xi32, #tpu.memory_space<vmem>> -> memref<1x128xi32, #tpu.memory_space<vmem>>
      %dma_wait3A_123 = tpu.memref_squeeze %dma_wait3A_122 : memref<1x128xi32, #tpu.memory_space<vmem>> -> memref<128xi32, #tpu.memory_space<vmem>>
      %dma_wait3A_124 = arith.constant 0 : i32
      %dma_wait3A_125 = arith.constant 0 : i32
      %dma_wait3A_126 = tpu.memref_slice %arg8[%arg1, %dma_wait3A_117, %dma_wait3A_124, %dma_wait3A_125] : memref<16x2x128x128xf32, #tpu.memory_space<vmem_shared>> -> memref<1x1x128x128xf32, #tpu.memory_space<vmem_shared>>
      %dma_wait3A_127 = tpu.memref_squeeze %dma_wait3A_126 : memref<1x1x128x128xf32, #tpu.memory_space<vmem_shared>> -> memref<128x128xf32, #tpu.memory_space<vmem_shared>>
      %dma_wait3A_128 = arith.constant 0 : i32
      %dma_wait3A_129 = arith.constant 0 : i32
      %dma_wait3A_130 = tpu.memref_slice %dma_wait3A_127[%dma_wait3A_128, %dma_wait3A_129] : memref<128x128xf32, #tpu.memory_space<vmem_shared>> -> memref<128x128xf32, #tpu.memory_space<vmem_shared>>
      tpu.wait_indirect_dma semaphore(%arg9 : memref<!tpu.dma_semaphore, #tpu.memory_space<semaphore_mem>>) src(%dma_wait3A_130 : memref<128x128xf32, #tpu.memory_space<vmem_shared>>) dst(%dma_wait3A_120 : memref<128x128xf32, #tpu.memory_space<vmem>>)
      %mul3A_131 = arith.constant 2 : i32
      %mul3A_132 = arith.muli %add3A_48, %mul3A_131 : i32
      %add3A_133 = arith.constant 1 : i32
      %add3A_134 = arith.addi %mul3A_132, %add3A_133 : i32
      %dma_wait3A_135 = arith.constant 0 : i32
      %dma_wait3A_136 = arith.constant 128 : i32
      %dma_wait3A_137 = arith.constant 0 : i32
      %dma_wait3A_138 = tpu.memref_slice %arg6[%dma_wait3A_136, %dma_wait3A_137] : memref<256x128xf32, #tpu.memory_space<vmem>> -> memref<128x128xf32, #tpu.memory_space<vmem>>
      %dma_wait3A_139 = arith.constant 0 : i32
      %dma_wait3A_140 = tpu.memref_slice %arg5[%add3A_134, %dma_wait3A_139] : memref<128x128xi32, #tpu.memory_space<vmem>> -> memref<1x128xi32, #tpu.memory_space<vmem>>
      %dma_wait3A_141 = tpu.memref_squeeze %dma_wait3A_140 : memref<1x128xi32, #tpu.memory_space<vmem>> -> memref<128xi32, #tpu.memory_space<vmem>>
      %dma_wait3A_142 = arith.constant 0 : i32
      %dma_wait3A_143 = arith.constant 0 : i32
      %dma_wait3A_144 = tpu.memref_slice %arg8[%arg1, %dma_wait3A_135, %dma_wait3A_142, %dma_wait3A_143] : memref<16x2x128x128xf32, #tpu.memory_space<vmem_shared>> -> memref<1x1x128x128xf32, #tpu.memory_space<vmem_shared>>
      %dma_wait3A_145 = tpu.memref_squeeze %dma_wait3A_144 : memref<1x1x128x128xf32, #tpu.memory_space<vmem_shared>> -> memref<128x128xf32, #tpu.memory_space<vmem_shared>>
      %dma_wait3A_146 = arith.constant 0 : i32
      %dma_wait3A_147 = arith.constant 0 : i32
      %dma_wait3A_148 = tpu.memref_slice %dma_wait3A_145[%dma_wait3A_146, %dma_wait3A_147] : memref<128x128xf32, #tpu.memory_space<vmem_shared>> -> memref<128x128xf32, #tpu.memory_space<vmem_shared>>
      tpu.wait_indirect_dma semaphore(%arg10 : memref<!tpu.dma_semaphore, #tpu.memory_space<semaphore_mem>>) src(%dma_wait3A_148 : memref<128x128xf32, #tpu.memory_space<vmem_shared>>) dst(%dma_wait3A_138 : memref<128x128xf32, #tpu.memory_space<vmem>>)
      %mul3A_149 = arith.constant 256 : i32
      %mul3A_150 = arith.muli %add3A_48, %mul3A_149 : i32
      %add3A_151 = arith.addi %mul3A_4, %mul3A_150 : i32
      %dma_start3A_152 = arith.constant 0 : i32
      %dma_start3A_153 = tpu.memref_slice %arg4[%add3A_151, %dma_start3A_152] : memref<524288x128xf32, #tpu.memory_space<hbm>> -> memref<256x128xf32, #tpu.memory_space<hbm>>
      %dma_start3A_154 = arith.constant 0 : i32
      %dma_start3A_155 = tpu.memref_slice %arg4[%add3A_151, %dma_start3A_154] : memref<524288x128xf32, #tpu.memory_space<hbm>> -> memref<256x128xf32, #tpu.memory_space<hbm>>
      tpu.enqueue_dma source(%arg6 : memref<256x128xf32, #tpu.memory_space<vmem>>) target(%dma_start3A_155 : memref<256x128xf32, #tpu.memory_space<hbm>>) target_semaphore(%arg13 : memref<!tpu.dma_semaphore, #tpu.memory_space<semaphore_mem>>)
      %mul3A_156 = arith.constant 4 : i32
      %mul3A_157 = arith.muli %scan3A_44, %mul3A_156 : i32
      %add3A_158 = arith.constant 1 : i32
      %add3A_159 = arith.addi %mul3A_157, %add3A_158 : i32
      %jit3A_160 = arith.constant 2 : i32
      %div3A_161 = arith.divsi %add3A_159, %jit3A_160 : i32
      %sign3A_162 = arith.constant 0 : i32
      %sign3A_163 = arith.cmpi sgt, %add3A_159, %sign3A_162 : i32
      %sign3A_164 = arith.extui %sign3A_163 : i1 to i32
      %sign3A_165 = arith.constant 0 : i32
      %sign3A_166 = arith.cmpi slt, %add3A_159, %sign3A_165 : i32
      %sign3A_167 = arith.extui %sign3A_166 : i1 to i32
      %sign3A_168 = arith.subi %sign3A_164, %sign3A_167 : i32
      %sign3A_169 = arith.constant 0 : i32
      %sign3A_170 = arith.cmpi sgt, %jit3A_160, %sign3A_169 : i32
      %sign3A_171 = arith.extui %sign3A_170 : i1 to i32
      %sign3A_172 = arith.constant 0 : i32
      %sign3A_173 = arith.cmpi slt, %jit3A_160, %sign3A_172 : i32
      %sign3A_174 = arith.extui %sign3A_173 : i1 to i32
      %sign3A_175 = arith.subi %sign3A_171, %sign3A_174 : i32
      %ne3A_176 = arith.cmpi ne, %sign3A_168, %sign3A_175 : i32
      %rem3A_177 = arith.remsi %add3A_159, %jit3A_160 : i32
      %ne3A_178 = arith.constant 0 : i32
      %ne3A_179 = arith.cmpi ne, %rem3A_177, %ne3A_178 : i32
      %and3A_180 = arith.andi %ne3A_176, %ne3A_179 : i1
      %sub3A_181 = arith.constant 1 : i32
      %sub3A_182 = arith.subi %div3A_161, %sub3A_181 : i32
      %select_n3A_183 = arith.select %and3A_180, %sub3A_182, %div3A_161 : i32
      %ge3A_184 = arith.constant 2 : i32
      %ge3A_185 = arith.cmpi sge, %add3A_159, %ge3A_184 : i32
      %convert_element_type3A_186 = arith.extui %ge3A_185 : i1 to i32
      %cond3A_187 = arith.constant 0 : i32
      %cond3A_188 = arith.cmpi ne, %convert_element_type3A_186, %cond3A_187 : i32
      scf.if %cond3A_188 {
        %sub3A_515 = arith.constant 2 : i32
        %sub3A_516 = arith.subi %add3A_159, %sub3A_515 : i32
        %mul3A_517 = arith.constant 256 : i32
        %mul3A_518 = arith.muli %sub3A_516, %mul3A_517 : i32
        %add3A_519 = arith.addi %mul3A_4, %mul3A_518 : i32
        %dma_wait3A_520 = arith.constant 0 : i32
        %dma_wait3A_521 = tpu.memref_slice %arg4[%add3A_519, %dma_wait3A_520] : memref<524288x128xf32, #tpu.memory_space<hbm>> -> memref<256x128xf32, #tpu.memory_space<hbm>>
        %dma_wait3A_522 = arith.constant 0 : i32
        %dma_wait3A_523 = tpu.memref_slice %arg4[%add3A_519, %dma_wait3A_522] : memref<524288x128xf32, #tpu.memory_space<hbm>> -> memref<256x128xf32, #tpu.memory_space<hbm>>
        tpu.wait_dma2 semaphore(%arg14 : memref<!tpu.dma_semaphore, #tpu.memory_space<semaphore_mem>>) src(%arg7 : memref<256x128xf32, #tpu.memory_space<vmem>>) dst(%dma_wait3A_523 : memref<256x128xf32, #tpu.memory_space<hbm>>)
      } else {
      }
      %mul3A_189 = arith.constant 2 : i32
      %mul3A_190 = arith.muli %add3A_159, %mul3A_189 : i32
      %add3A_191 = arith.constant 0 : i32
      %add3A_192 = arith.addi %mul3A_190, %add3A_191 : i32
      %dma_start3A_193 = arith.constant 0 : i32
      %dma_start3A_194 = arith.constant 0 : i32
      %dma_start3A_195 = arith.constant 0 : i32
      %dma_start3A_196 = tpu.memref_slice %arg7[%dma_start3A_194, %dma_start3A_195] : memref<256x128xf32, #tpu.memory_space<vmem>> -> memref<128x128xf32, #tpu.memory_space<vmem>>
      %dma_start3A_197 = arith.constant 0 : i32
      %dma_start3A_198 = tpu.memref_slice %arg5[%add3A_192, %dma_start3A_197] : memref<128x128xi32, #tpu.memory_space<vmem>> -> memref<1x128xi32, #tpu.memory_space<vmem>>
      %dma_start3A_199 = tpu.memref_squeeze %dma_start3A_198 : memref<1x128xi32, #tpu.memory_space<vmem>> -> memref<128xi32, #tpu.memory_space<vmem>>
      %dma_start3A_200 = arith.constant 0 : i32
      %dma_start3A_201 = arith.constant 0 : i32
      %dma_start3A_202 = tpu.memref_slice %arg8[%arg1, %dma_start3A_193, %dma_start3A_200, %dma_start3A_201] : memref<16x2x128x128xf32, #tpu.memory_space<vmem_shared>> -> memref<1x1x128x128xf32, #tpu.memory_space<vmem_shared>>
      %dma_start3A_203 = tpu.memref_squeeze %dma_start3A_202 : memref<1x1x128x128xf32, #tpu.memory_space<vmem_shared>> -> memref<128x128xf32, #tpu.memory_space<vmem_shared>>
      %dma_start3A_204 = arith.constant 0 : i32
      %dma_start3A_205 = arith.constant 0 : i32
      %dma_start3A_206 = tpu.memref_slice %dma_start3A_203[%dma_start3A_204, %dma_start3A_205] : memref<128x128xf32, #tpu.memory_space<vmem_shared>> -> memref<128x128xf32, #tpu.memory_space<vmem_shared>>
      tpu.enqueue_indirect_dma source(%dma_start3A_206 : memref<128x128xf32, #tpu.memory_space<vmem_shared>>) target(%dma_start3A_196 : memref<128x128xf32, #tpu.memory_space<vmem>>) offsets(%dma_start3A_199 : memref<128xi32, #tpu.memory_space<vmem>>) semaphore(%arg11 : memref<!tpu.dma_semaphore, #tpu.memory_space<semaphore_mem>>)
      %mul3A_207 = arith.constant 2 : i32
      %mul3A_208 = arith.muli %add3A_159, %mul3A_207 : i32
      %add3A_209 = arith.constant 1 : i32
      %add3A_210 = arith.addi %mul3A_208, %add3A_209 : i32
      %dma_start3A_211 = arith.constant 0 : i32
      %dma_start3A_212 = arith.constant 128 : i32
      %dma_start3A_213 = arith.constant 0 : i32
      %dma_start3A_214 = tpu.memref_slice %arg7[%dma_start3A_212, %dma_start3A_213] : memref<256x128xf32, #tpu.memory_space<vmem>> -> memref<128x128xf32, #tpu.memory_space<vmem>>
      %dma_start3A_215 = arith.constant 0 : i32
      %dma_start3A_216 = tpu.memref_slice %arg5[%add3A_210, %dma_start3A_215] : memref<128x128xi32, #tpu.memory_space<vmem>> -> memref<1x128xi32, #tpu.memory_space<vmem>>
      %dma_start3A_217 = tpu.memref_squeeze %dma_start3A_216 : memref<1x128xi32, #tpu.memory_space<vmem>> -> memref<128xi32, #tpu.memory_space<vmem>>
      %dma_start3A_218 = arith.constant 0 : i32
      %dma_start3A_219 = arith.constant 0 : i32
      %dma_start3A_220 = tpu.memref_slice %arg8[%arg1, %dma_start3A_211, %dma_start3A_218, %dma_start3A_219] : memref<16x2x128x128xf32, #tpu.memory_space<vmem_shared>> -> memref<1x1x128x128xf32, #tpu.memory_space<vmem_shared>>
      %dma_start3A_221 = tpu.memref_squeeze %dma_start3A_220 : memref<1x1x128x128xf32, #tpu.memory_space<vmem_shared>> -> memref<128x128xf32, #tpu.memory_space<vmem_shared>>
      %dma_start3A_222 = arith.constant 0 : i32
      %dma_start3A_223 = arith.constant 0 : i32
      %dma_start3A_224 = tpu.memref_slice %dma_start3A_221[%dma_start3A_222, %dma_start3A_223] : memref<128x128xf32, #tpu.memory_space<vmem_shared>> -> memref<128x128xf32, #tpu.memory_space<vmem_shared>>
      tpu.enqueue_indirect_dma source(%dma_start3A_224 : memref<128x128xf32, #tpu.memory_space<vmem_shared>>) target(%dma_start3A_214 : memref<128x128xf32, #tpu.memory_space<vmem>>) offsets(%dma_start3A_217 : memref<128xi32, #tpu.memory_space<vmem>>) semaphore(%arg12 : memref<!tpu.dma_semaphore, #tpu.memory_space<semaphore_mem>>)
      %mul3A_225 = arith.constant 2 : i32
      %mul3A_226 = arith.muli %add3A_159, %mul3A_225 : i32
      %add3A_227 = arith.constant 0 : i32
      %add3A_228 = arith.addi %mul3A_226, %add3A_227 : i32
      %dma_wait3A_229 = arith.constant 0 : i32
      %dma_wait3A_230 = arith.constant 0 : i32
      %dma_wait3A_231 = arith.constant 0 : i32
      %dma_wait3A_232 = tpu.memref_slice %arg7[%dma_wait3A_230, %dma_wait3A_231] : memref<256x128xf32, #tpu.memory_space<vmem>> -> memref<128x128xf32, #tpu.memory_space<vmem>>
      %dma_wait3A_233 = arith.constant 0 : i32
      %dma_wait3A_234 = tpu.memref_slice %arg5[%add3A_228, %dma_wait3A_233] : memref<128x128xi32, #tpu.memory_space<vmem>> -> memref<1x128xi32, #tpu.memory_space<vmem>>
      %dma_wait3A_235 = tpu.memref_squeeze %dma_wait3A_234 : memref<1x128xi32, #tpu.memory_space<vmem>> -> memref<128xi32, #tpu.memory_space<vmem>>
      %dma_wait3A_236 = arith.constant 0 : i32
      %dma_wait3A_237 = arith.constant 0 : i32
      %dma_wait3A_238 = tpu.memref_slice %arg8[%arg1, %dma_wait3A_229, %dma_wait3A_236, %dma_wait3A_237] : memref<16x2x128x128xf32, #tpu.memory_space<vmem_shared>> -> memref<1x1x128x128xf32, #tpu.memory_space<vmem_shared>>
      %dma_wait3A_239 = tpu.memref_squeeze %dma_wait3A_238 : memref<1x1x128x128xf32, #tpu.memory_space<vmem_shared>> -> memref<128x128xf32, #tpu.memory_space<vmem_shared>>
      %dma_wait3A_240 = arith.constant 0 : i32
      %dma_wait3A_241 = arith.constant 0 : i32
      %dma_wait3A_242 = tpu.memref_slice %dma_wait3A_239[%dma_wait3A_240, %dma_wait3A_241] : memref<128x128xf32, #tpu.memory_space<vmem_shared>> -> memref<128x128xf32, #tpu.memory_space<vmem_shared>>
      tpu.wait_indirect_dma semaphore(%arg11 : memref<!tpu.dma_semaphore, #tpu.memory_space<semaphore_mem>>) src(%dma_wait3A_242 : memref<128x128xf32, #tpu.memory_space<vmem_shared>>) dst(%dma_wait3A_232 : memref<128x128xf32, #tpu.memory_space<vmem>>)
      %mul3A_243 = arith.constant 2 : i32
      %mul3A_244 = arith.muli %add3A_159, %mul3A_243 : i32
      %add3A_245 = arith.constant 1 : i32
      %add3A_246 = arith.addi %mul3A_244, %add3A_245 : i32
      %dma_wait3A_247 = arith.constant 0 : i32
      %dma_wait3A_248 = arith.constant 128 : i32
      %dma_wait3A_249 = arith.constant 0 : i32
      %dma_wait3A_250 = tpu.memref_slice %arg7[%dma_wait3A_248, %dma_wait3A_249] : memref<256x128xf32, #tpu.memory_space<vmem>> -> memref<128x128xf32, #tpu.memory_space<vmem>>
      %dma_wait3A_251 = arith.constant 0 : i32
      %dma_wait3A_252 = tpu.memref_slice %arg5[%add3A_246, %dma_wait3A_251] : memref<128x128xi32, #tpu.memory_space<vmem>> -> memref<1x128xi32, #tpu.memory_space<vmem>>
      %dma_wait3A_253 = tpu.memref_squeeze %dma_wait3A_252 : memref<1x128xi32, #tpu.memory_space<vmem>> -> memref<128xi32, #tpu.memory_space<vmem>>
      %dma_wait3A_254 = arith.constant 0 : i32
      %dma_wait3A_255 = arith.constant 0 : i32
      %dma_wait3A_256 = tpu.memref_slice %arg8[%arg1, %dma_wait3A_247, %dma_wait3A_254, %dma_wait3A_255] : memref<16x2x128x128xf32, #tpu.memory_space<vmem_shared>> -> memref<1x1x128x128xf32, #tpu.memory_space<vmem_shared>>
      %dma_wait3A_257 = tpu.memref_squeeze %dma_wait3A_256 : memref<1x1x128x128xf32, #tpu.memory_space<vmem_shared>> -> memref<128x128xf32, #tpu.memory_space<vmem_shared>>
      %dma_wait3A_258 = arith.constant 0 : i32
      %dma_wait3A_259 = arith.constant 0 : i32
      %dma_wait3A_260 = tpu.memref_slice %dma_wait3A_257[%dma_wait3A_258, %dma_wait3A_259] : memref<128x128xf32, #tpu.memory_space<vmem_shared>> -> memref<128x128xf32, #tpu.memory_space<vmem_shared>>
      tpu.wait_indirect_dma semaphore(%arg12 : memref<!tpu.dma_semaphore, #tpu.memory_space<semaphore_mem>>) src(%dma_wait3A_260 : memref<128x128xf32, #tpu.memory_space<vmem_shared>>) dst(%dma_wait3A_250 : memref<128x128xf32, #tpu.memory_space<vmem>>)
      %mul3A_261 = arith.constant 256 : i32
      %mul3A_262 = arith.muli %add3A_159, %mul3A_261 : i32
      %add3A_263 = arith.addi %mul3A_4, %mul3A_262 : i32
      %dma_start3A_264 = arith.constant 0 : i32
      %dma_start3A_265 = tpu.memref_slice %arg4[%add3A_263, %dma_start3A_264] : memref<524288x128xf32, #tpu.memory_space<hbm>> -> memref<256x128xf32, #tpu.memory_space<hbm>>
      %dma_start3A_266 = arith.constant 0 : i32
      %dma_start3A_267 = tpu.memref_slice %arg4[%add3A_263, %dma_start3A_266] : memref<524288x128xf32, #tpu.memory_space<hbm>> -> memref<256x128xf32, #tpu.memory_space<hbm>>
      tpu.enqueue_dma source(%arg7 : memref<256x128xf32, #tpu.memory_space<vmem>>) target(%dma_start3A_267 : memref<256x128xf32, #tpu.memory_space<hbm>>) target_semaphore(%arg14 : memref<!tpu.dma_semaphore, #tpu.memory_space<semaphore_mem>>)
      %add3A_268 = arith.constant 2 : i32
      %add3A_269 = arith.addi %select_n3A_183, %add3A_268 : i32
      %lt3A = arith.constant 32 : i32
      %lt3A_270 = arith.cmpi slt, %add3A_269, %lt3A : i32
      %convert_element_type3A_271 = arith.extui %lt3A_270 : i1 to i32
      %cond3A_272 = arith.constant 0 : i32
      %cond3A_273 = arith.cmpi ne, %convert_element_type3A_271, %cond3A_272 : i32
      scf.if %cond3A_273 {
        %add3A_515 = arith.constant 2 : i32
        %add3A_516 = arith.addi %select_n3A_183, %add3A_515 : i32
        %add3A_517 = arith.addi %mul3A_6, %add3A_516 : i32
        %dma_start3A_518 = arith.constant 0 : i32
        %dma_start3A_519 = arith.constant 0 : i32
        %dma_start3A_520 = arith.constant 0 : i32
        %dma_start3A_521 = tpu.memref_slice %arg8[%arg1, %dma_start3A_518, %dma_start3A_519, %dma_start3A_520] : memref<16x2x128x128xf32, #tpu.memory_space<vmem_shared>> -> memref<1x1x128x128xf32, #tpu.memory_space<vmem_shared>>
        %dma_start3A_522 = tpu.memref_squeeze %dma_start3A_521 : memref<1x1x128x128xf32, #tpu.memory_space<vmem_shared>> -> memref<128x128xf32, #tpu.memory_space<vmem_shared>>
        %dma_start3A_523 = arith.constant 0 : i32
        %dma_start3A_524 = arith.constant 0 : i32
        %dma_start3A_525 = tpu.memref_slice %arg2[%add3A_517, %dma_start3A_523, %dma_start3A_524] : memref<1024x128x128xf32, #tpu.memory_space<hbm>> -> memref<1x128x128xf32, #tpu.memory_space<hbm>>
        %dma_start3A_526 = tpu.memref_squeeze %dma_start3A_525 : memref<1x128x128xf32, #tpu.memory_space<hbm>> -> memref<128x128xf32, #tpu.memory_space<hbm>>
        tpu.enqueue_dma source(%dma_start3A_526 : memref<128x128xf32, #tpu.memory_space<hbm>>) target(%dma_start3A_522 : memref<128x128xf32, #tpu.memory_space<vmem_shared>>) target_semaphore(%arg15 : memref<!tpu.dma_semaphore, #tpu.memory_space<semaphore_mem>>)
      } else {
      }
      %mul3A_274 = arith.constant 4 : i32
      %mul3A_275 = arith.muli %scan3A_44, %mul3A_274 : i32
      %add3A_276 = arith.constant 2 : i32
      %add3A_277 = arith.addi %mul3A_275, %add3A_276 : i32
      %jit3A_278 = arith.constant 2 : i32
      %div3A_279 = arith.divsi %add3A_277, %jit3A_278 : i32
      %sign3A_280 = arith.constant 0 : i32
      %sign3A_281 = arith.cmpi sgt, %add3A_277, %sign3A_280 : i32
      %sign3A_282 = arith.extui %sign3A_281 : i1 to i32
      %sign3A_283 = arith.constant 0 : i32
      %sign3A_284 = arith.cmpi slt, %add3A_277, %sign3A_283 : i32
      %sign3A_285 = arith.extui %sign3A_284 : i1 to i32
      %sign3A_286 = arith.subi %sign3A_282, %sign3A_285 : i32
      %sign3A_287 = arith.constant 0 : i32
      %sign3A_288 = arith.cmpi sgt, %jit3A_278, %sign3A_287 : i32
      %sign3A_289 = arith.extui %sign3A_288 : i1 to i32
      %sign3A_290 = arith.constant 0 : i32
      %sign3A_291 = arith.cmpi slt, %jit3A_278, %sign3A_290 : i32
      %sign3A_292 = arith.extui %sign3A_291 : i1 to i32
      %sign3A_293 = arith.subi %sign3A_289, %sign3A_292 : i32
      %ne3A_294 = arith.cmpi ne, %sign3A_286, %sign3A_293 : i32
      %rem3A_295 = arith.remsi %add3A_277, %jit3A_278 : i32
      %ne3A_296 = arith.constant 0 : i32
      %ne3A_297 = arith.cmpi ne, %rem3A_295, %ne3A_296 : i32
      %and3A_298 = arith.andi %ne3A_294, %ne3A_297 : i1
      %sub3A_299 = arith.constant 1 : i32
      %sub3A_300 = arith.subi %div3A_279, %sub3A_299 : i32
      %select_n3A_301 = arith.select %and3A_298, %sub3A_300, %div3A_279 : i32
      %add3A_302 = arith.addi %mul3A_6, %select_n3A_301 : i32
      %dma_wait3A_303 = arith.constant 1 : i32
      %dma_wait3A_304 = arith.constant 0 : i32
      %dma_wait3A_305 = arith.constant 0 : i32
      %dma_wait3A_306 = tpu.memref_slice %arg8[%arg1, %dma_wait3A_303, %dma_wait3A_304, %dma_wait3A_305] : memref<16x2x128x128xf32, #tpu.memory_space<vmem_shared>> -> memref<1x1x128x128xf32, #tpu.memory_space<vmem_shared>>
      %dma_wait3A_307 = tpu.memref_squeeze %dma_wait3A_306 : memref<1x1x128x128xf32, #tpu.memory_space<vmem_shared>> -> memref<128x128xf32, #tpu.memory_space<vmem_shared>>
      %dma_wait3A_308 = arith.constant 0 : i32
      %dma_wait3A_309 = arith.constant 0 : i32
      %dma_wait3A_310 = tpu.memref_slice %arg2[%add3A_302, %dma_wait3A_308, %dma_wait3A_309] : memref<1024x128x128xf32, #tpu.memory_space<hbm>> -> memref<1x128x128xf32, #tpu.memory_space<hbm>>
      %dma_wait3A_311 = tpu.memref_squeeze %dma_wait3A_310 : memref<1x128x128xf32, #tpu.memory_space<hbm>> -> memref<128x128xf32, #tpu.memory_space<hbm>>
      tpu.wait_dma2 semaphore(%arg16 : memref<!tpu.dma_semaphore, #tpu.memory_space<semaphore_mem>>) src(%dma_wait3A_311 : memref<128x128xf32, #tpu.memory_space<hbm>>) dst(%dma_wait3A_307 : memref<128x128xf32, #tpu.memory_space<vmem_shared>>)
      %ge3A_312 = arith.constant 2 : i32
      %ge3A_313 = arith.cmpi sge, %add3A_277, %ge3A_312 : i32
      %convert_element_type3A_314 = arith.extui %ge3A_313 : i1 to i32
      %cond3A_315 = arith.constant 0 : i32
      %cond3A_316 = arith.cmpi ne, %convert_element_type3A_314, %cond3A_315 : i32
      scf.if %cond3A_316 {
        %sub3A_515 = arith.constant 2 : i32
        %sub3A_516 = arith.subi %add3A_277, %sub3A_515 : i32
        %mul3A_517 = arith.constant 256 : i32
        %mul3A_518 = arith.muli %sub3A_516, %mul3A_517 : i32
        %add3A_519 = arith.addi %mul3A_4, %mul3A_518 : i32
        %dma_wait3A_520 = arith.constant 0 : i32
        %dma_wait3A_521 = tpu.memref_slice %arg4[%add3A_519, %dma_wait3A_520] : memref<524288x128xf32, #tpu.memory_space<hbm>> -> memref<256x128xf32, #tpu.memory_space<hbm>>
        %dma_wait3A_522 = arith.constant 0 : i32
        %dma_wait3A_523 = tpu.memref_slice %arg4[%add3A_519, %dma_wait3A_522] : memref<524288x128xf32, #tpu.memory_space<hbm>> -> memref<256x128xf32, #tpu.memory_space<hbm>>
        tpu.wait_dma2 semaphore(%arg13 : memref<!tpu.dma_semaphore, #tpu.memory_space<semaphore_mem>>) src(%arg6 : memref<256x128xf32, #tpu.memory_space<vmem>>) dst(%dma_wait3A_523 : memref<256x128xf32, #tpu.memory_space<hbm>>)
      } else {
      }
      %mul3A_317 = arith.constant 2 : i32
      %mul3A_318 = arith.muli %add3A_277, %mul3A_317 : i32
      %add3A_319 = arith.constant 0 : i32
      %add3A_320 = arith.addi %mul3A_318, %add3A_319 : i32
      %dma_start3A_321 = arith.constant 1 : i32
      %dma_start3A_322 = arith.constant 0 : i32
      %dma_start3A_323 = arith.constant 0 : i32
      %dma_start3A_324 = tpu.memref_slice %arg6[%dma_start3A_322, %dma_start3A_323] : memref<256x128xf32, #tpu.memory_space<vmem>> -> memref<128x128xf32, #tpu.memory_space<vmem>>
      %dma_start3A_325 = arith.constant 0 : i32
      %dma_start3A_326 = tpu.memref_slice %arg5[%add3A_320, %dma_start3A_325] : memref<128x128xi32, #tpu.memory_space<vmem>> -> memref<1x128xi32, #tpu.memory_space<vmem>>
      %dma_start3A_327 = tpu.memref_squeeze %dma_start3A_326 : memref<1x128xi32, #tpu.memory_space<vmem>> -> memref<128xi32, #tpu.memory_space<vmem>>
      %dma_start3A_328 = arith.constant 0 : i32
      %dma_start3A_329 = arith.constant 0 : i32
      %dma_start3A_330 = tpu.memref_slice %arg8[%arg1, %dma_start3A_321, %dma_start3A_328, %dma_start3A_329] : memref<16x2x128x128xf32, #tpu.memory_space<vmem_shared>> -> memref<1x1x128x128xf32, #tpu.memory_space<vmem_shared>>
      %dma_start3A_331 = tpu.memref_squeeze %dma_start3A_330 : memref<1x1x128x128xf32, #tpu.memory_space<vmem_shared>> -> memref<128x128xf32, #tpu.memory_space<vmem_shared>>
      %dma_start3A_332 = arith.constant 0 : i32
      %dma_start3A_333 = arith.constant 0 : i32
      %dma_start3A_334 = tpu.memref_slice %dma_start3A_331[%dma_start3A_332, %dma_start3A_333] : memref<128x128xf32, #tpu.memory_space<vmem_shared>> -> memref<128x128xf32, #tpu.memory_space<vmem_shared>>
      tpu.enqueue_indirect_dma source(%dma_start3A_334 : memref<128x128xf32, #tpu.memory_space<vmem_shared>>) target(%dma_start3A_324 : memref<128x128xf32, #tpu.memory_space<vmem>>) offsets(%dma_start3A_327 : memref<128xi32, #tpu.memory_space<vmem>>) semaphore(%arg9 : memref<!tpu.dma_semaphore, #tpu.memory_space<semaphore_mem>>)
      %mul3A_335 = arith.constant 2 : i32
      %mul3A_336 = arith.muli %add3A_277, %mul3A_335 : i32
      %add3A_337 = arith.constant 1 : i32
      %add3A_338 = arith.addi %mul3A_336, %add3A_337 : i32
      %dma_start3A_339 = arith.constant 1 : i32
      %dma_start3A_340 = arith.constant 128 : i32
      %dma_start3A_341 = arith.constant 0 : i32
      %dma_start3A_342 = tpu.memref_slice %arg6[%dma_start3A_340, %dma_start3A_341] : memref<256x128xf32, #tpu.memory_space<vmem>> -> memref<128x128xf32, #tpu.memory_space<vmem>>
      %dma_start3A_343 = arith.constant 0 : i32
      %dma_start3A_344 = tpu.memref_slice %arg5[%add3A_338, %dma_start3A_343] : memref<128x128xi32, #tpu.memory_space<vmem>> -> memref<1x128xi32, #tpu.memory_space<vmem>>
      %dma_start3A_345 = tpu.memref_squeeze %dma_start3A_344 : memref<1x128xi32, #tpu.memory_space<vmem>> -> memref<128xi32, #tpu.memory_space<vmem>>
      %dma_start3A_346 = arith.constant 0 : i32
      %dma_start3A_347 = arith.constant 0 : i32
      %dma_start3A_348 = tpu.memref_slice %arg8[%arg1, %dma_start3A_339, %dma_start3A_346, %dma_start3A_347] : memref<16x2x128x128xf32, #tpu.memory_space<vmem_shared>> -> memref<1x1x128x128xf32, #tpu.memory_space<vmem_shared>>
      %dma_start3A_349 = tpu.memref_squeeze %dma_start3A_348 : memref<1x1x128x128xf32, #tpu.memory_space<vmem_shared>> -> memref<128x128xf32, #tpu.memory_space<vmem_shared>>
      %dma_start3A_350 = arith.constant 0 : i32
      %dma_start3A_351 = arith.constant 0 : i32
      %dma_start3A_352 = tpu.memref_slice %dma_start3A_349[%dma_start3A_350, %dma_start3A_351] : memref<128x128xf32, #tpu.memory_space<vmem_shared>> -> memref<128x128xf32, #tpu.memory_space<vmem_shared>>
      tpu.enqueue_indirect_dma source(%dma_start3A_352 : memref<128x128xf32, #tpu.memory_space<vmem_shared>>) target(%dma_start3A_342 : memref<128x128xf32, #tpu.memory_space<vmem>>) offsets(%dma_start3A_345 : memref<128xi32, #tpu.memory_space<vmem>>) semaphore(%arg10 : memref<!tpu.dma_semaphore, #tpu.memory_space<semaphore_mem>>)
      %mul3A_353 = arith.constant 2 : i32
      %mul3A_354 = arith.muli %add3A_277, %mul3A_353 : i32
      %add3A_355 = arith.constant 0 : i32
      %add3A_356 = arith.addi %mul3A_354, %add3A_355 : i32
      %dma_wait3A_357 = arith.constant 1 : i32
      %dma_wait3A_358 = arith.constant 0 : i32
      %dma_wait3A_359 = arith.constant 0 : i32
      %dma_wait3A_360 = tpu.memref_slice %arg6[%dma_wait3A_358, %dma_wait3A_359] : memref<256x128xf32, #tpu.memory_space<vmem>> -> memref<128x128xf32, #tpu.memory_space<vmem>>
      %dma_wait3A_361 = arith.constant 0 : i32
      %dma_wait3A_362 = tpu.memref_slice %arg5[%add3A_356, %dma_wait3A_361] : memref<128x128xi32, #tpu.memory_space<vmem>> -> memref<1x128xi32, #tpu.memory_space<vmem>>
      %dma_wait3A_363 = tpu.memref_squeeze %dma_wait3A_362 : memref<1x128xi32, #tpu.memory_space<vmem>> -> memref<128xi32, #tpu.memory_space<vmem>>
      %dma_wait3A_364 = arith.constant 0 : i32
      %dma_wait3A_365 = arith.constant 0 : i32
      %dma_wait3A_366 = tpu.memref_slice %arg8[%arg1, %dma_wait3A_357, %dma_wait3A_364, %dma_wait3A_365] : memref<16x2x128x128xf32, #tpu.memory_space<vmem_shared>> -> memref<1x1x128x128xf32, #tpu.memory_space<vmem_shared>>
      %dma_wait3A_367 = tpu.memref_squeeze %dma_wait3A_366 : memref<1x1x128x128xf32, #tpu.memory_space<vmem_shared>> -> memref<128x128xf32, #tpu.memory_space<vmem_shared>>
      %dma_wait3A_368 = arith.constant 0 : i32
      %dma_wait3A_369 = arith.constant 0 : i32
      %dma_wait3A_370 = tpu.memref_slice %dma_wait3A_367[%dma_wait3A_368, %dma_wait3A_369] : memref<128x128xf32, #tpu.memory_space<vmem_shared>> -> memref<128x128xf32, #tpu.memory_space<vmem_shared>>
      tpu.wait_indirect_dma semaphore(%arg9 : memref<!tpu.dma_semaphore, #tpu.memory_space<semaphore_mem>>) src(%dma_wait3A_370 : memref<128x128xf32, #tpu.memory_space<vmem_shared>>) dst(%dma_wait3A_360 : memref<128x128xf32, #tpu.memory_space<vmem>>)
      %mul3A_371 = arith.constant 2 : i32
      %mul3A_372 = arith.muli %add3A_277, %mul3A_371 : i32
      %add3A_373 = arith.constant 1 : i32
      %add3A_374 = arith.addi %mul3A_372, %add3A_373 : i32
      %dma_wait3A_375 = arith.constant 1 : i32
      %dma_wait3A_376 = arith.constant 128 : i32
      %dma_wait3A_377 = arith.constant 0 : i32
      %dma_wait3A_378 = tpu.memref_slice %arg6[%dma_wait3A_376, %dma_wait3A_377] : memref<256x128xf32, #tpu.memory_space<vmem>> -> memref<128x128xf32, #tpu.memory_space<vmem>>
      %dma_wait3A_379 = arith.constant 0 : i32
      %dma_wait3A_380 = tpu.memref_slice %arg5[%add3A_374, %dma_wait3A_379] : memref<128x128xi32, #tpu.memory_space<vmem>> -> memref<1x128xi32, #tpu.memory_space<vmem>>
      %dma_wait3A_381 = tpu.memref_squeeze %dma_wait3A_380 : memref<1x128xi32, #tpu.memory_space<vmem>> -> memref<128xi32, #tpu.memory_space<vmem>>
      %dma_wait3A_382 = arith.constant 0 : i32
      %dma_wait3A_383 = arith.constant 0 : i32
      %dma_wait3A_384 = tpu.memref_slice %arg8[%arg1, %dma_wait3A_375, %dma_wait3A_382, %dma_wait3A_383] : memref<16x2x128x128xf32, #tpu.memory_space<vmem_shared>> -> memref<1x1x128x128xf32, #tpu.memory_space<vmem_shared>>
      %dma_wait3A_385 = tpu.memref_squeeze %dma_wait3A_384 : memref<1x1x128x128xf32, #tpu.memory_space<vmem_shared>> -> memref<128x128xf32, #tpu.memory_space<vmem_shared>>
      %dma_wait3A_386 = arith.constant 0 : i32
      %dma_wait3A_387 = arith.constant 0 : i32
      %dma_wait3A_388 = tpu.memref_slice %dma_wait3A_385[%dma_wait3A_386, %dma_wait3A_387] : memref<128x128xf32, #tpu.memory_space<vmem_shared>> -> memref<128x128xf32, #tpu.memory_space<vmem_shared>>
      tpu.wait_indirect_dma semaphore(%arg10 : memref<!tpu.dma_semaphore, #tpu.memory_space<semaphore_mem>>) src(%dma_wait3A_388 : memref<128x128xf32, #tpu.memory_space<vmem_shared>>) dst(%dma_wait3A_378 : memref<128x128xf32, #tpu.memory_space<vmem>>)
      %mul3A_389 = arith.constant 256 : i32
      %mul3A_390 = arith.muli %add3A_277, %mul3A_389 : i32
      %add3A_391 = arith.addi %mul3A_4, %mul3A_390 : i32
      %dma_start3A_392 = arith.constant 0 : i32
      %dma_start3A_393 = tpu.memref_slice %arg4[%add3A_391, %dma_start3A_392] : memref<524288x128xf32, #tpu.memory_space<hbm>> -> memref<256x128xf32, #tpu.memory_space<hbm>>
      %dma_start3A_394 = arith.constant 0 : i32
      %dma_start3A_395 = tpu.memref_slice %arg4[%add3A_391, %dma_start3A_394] : memref<524288x128xf32, #tpu.memory_space<hbm>> -> memref<256x128xf32, #tpu.memory_space<hbm>>
      tpu.enqueue_dma source(%arg6 : memref<256x128xf32, #tpu.memory_space<vmem>>) target(%dma_start3A_395 : memref<256x128xf32, #tpu.memory_space<hbm>>) target_semaphore(%arg13 : memref<!tpu.dma_semaphore, #tpu.memory_space<semaphore_mem>>)
      %mul3A_396 = arith.constant 4 : i32
      %mul3A_397 = arith.muli %scan3A_44, %mul3A_396 : i32
      %add3A_398 = arith.constant 3 : i32
      %add3A_399 = arith.addi %mul3A_397, %add3A_398 : i32
      %jit3A_400 = arith.constant 2 : i32
      %div3A_401 = arith.divsi %add3A_399, %jit3A_400 : i32
      %sign3A_402 = arith.constant 0 : i32
      %sign3A_403 = arith.cmpi sgt, %add3A_399, %sign3A_402 : i32
      %sign3A_404 = arith.extui %sign3A_403 : i1 to i32
      %sign3A_405 = arith.constant 0 : i32
      %sign3A_406 = arith.cmpi slt, %add3A_399, %sign3A_405 : i32
      %sign3A_407 = arith.extui %sign3A_406 : i1 to i32
      %sign3A_408 = arith.subi %sign3A_404, %sign3A_407 : i32
      %sign3A_409 = arith.constant 0 : i32
      %sign3A_410 = arith.cmpi sgt, %jit3A_400, %sign3A_409 : i32
      %sign3A_411 = arith.extui %sign3A_410 : i1 to i32
      %sign3A_412 = arith.constant 0 : i32
      %sign3A_413 = arith.cmpi slt, %jit3A_400, %sign3A_412 : i32
      %sign3A_414 = arith.extui %sign3A_413 : i1 to i32
      %sign3A_415 = arith.subi %sign3A_411, %sign3A_414 : i32
      %ne3A_416 = arith.cmpi ne, %sign3A_408, %sign3A_415 : i32
      %rem3A_417 = arith.remsi %add3A_399, %jit3A_400 : i32
      %ne3A_418 = arith.constant 0 : i32
      %ne3A_419 = arith.cmpi ne, %rem3A_417, %ne3A_418 : i32
      %and3A_420 = arith.andi %ne3A_416, %ne3A_419 : i1
      %sub3A_421 = arith.constant 1 : i32
      %sub3A_422 = arith.subi %div3A_401, %sub3A_421 : i32
      %select_n3A_423 = arith.select %and3A_420, %sub3A_422, %div3A_401 : i32
      %ge3A_424 = arith.constant 2 : i32
      %ge3A_425 = arith.cmpi sge, %add3A_399, %ge3A_424 : i32
      %convert_element_type3A_426 = arith.extui %ge3A_425 : i1 to i32
      %cond3A_427 = arith.constant 0 : i32
      %cond3A_428 = arith.cmpi ne, %convert_element_type3A_426, %cond3A_427 : i32
      scf.if %cond3A_428 {
        %sub3A_515 = arith.constant 2 : i32
        %sub3A_516 = arith.subi %add3A_399, %sub3A_515 : i32
        %mul3A_517 = arith.constant 256 : i32
        %mul3A_518 = arith.muli %sub3A_516, %mul3A_517 : i32
        %add3A_519 = arith.addi %mul3A_4, %mul3A_518 : i32
        %dma_wait3A_520 = arith.constant 0 : i32
        %dma_wait3A_521 = tpu.memref_slice %arg4[%add3A_519, %dma_wait3A_520] : memref<524288x128xf32, #tpu.memory_space<hbm>> -> memref<256x128xf32, #tpu.memory_space<hbm>>
        %dma_wait3A_522 = arith.constant 0 : i32
        %dma_wait3A_523 = tpu.memref_slice %arg4[%add3A_519, %dma_wait3A_522] : memref<524288x128xf32, #tpu.memory_space<hbm>> -> memref<256x128xf32, #tpu.memory_space<hbm>>
        tpu.wait_dma2 semaphore(%arg14 : memref<!tpu.dma_semaphore, #tpu.memory_space<semaphore_mem>>) src(%arg7 : memref<256x128xf32, #tpu.memory_space<vmem>>) dst(%dma_wait3A_523 : memref<256x128xf32, #tpu.memory_space<hbm>>)
      } else {
      }
      %mul3A_429 = arith.constant 2 : i32
      %mul3A_430 = arith.muli %add3A_399, %mul3A_429 : i32
      %add3A_431 = arith.constant 0 : i32
      %add3A_432 = arith.addi %mul3A_430, %add3A_431 : i32
      %dma_start3A_433 = arith.constant 1 : i32
      %dma_start3A_434 = arith.constant 0 : i32
      %dma_start3A_435 = arith.constant 0 : i32
      %dma_start3A_436 = tpu.memref_slice %arg7[%dma_start3A_434, %dma_start3A_435] : memref<256x128xf32, #tpu.memory_space<vmem>> -> memref<128x128xf32, #tpu.memory_space<vmem>>
      %dma_start3A_437 = arith.constant 0 : i32
      %dma_start3A_438 = tpu.memref_slice %arg5[%add3A_432, %dma_start3A_437] : memref<128x128xi32, #tpu.memory_space<vmem>> -> memref<1x128xi32, #tpu.memory_space<vmem>>
      %dma_start3A_439 = tpu.memref_squeeze %dma_start3A_438 : memref<1x128xi32, #tpu.memory_space<vmem>> -> memref<128xi32, #tpu.memory_space<vmem>>
      %dma_start3A_440 = arith.constant 0 : i32
      %dma_start3A_441 = arith.constant 0 : i32
      %dma_start3A_442 = tpu.memref_slice %arg8[%arg1, %dma_start3A_433, %dma_start3A_440, %dma_start3A_441] : memref<16x2x128x128xf32, #tpu.memory_space<vmem_shared>> -> memref<1x1x128x128xf32, #tpu.memory_space<vmem_shared>>
      %dma_start3A_443 = tpu.memref_squeeze %dma_start3A_442 : memref<1x1x128x128xf32, #tpu.memory_space<vmem_shared>> -> memref<128x128xf32, #tpu.memory_space<vmem_shared>>
      %dma_start3A_444 = arith.constant 0 : i32
      %dma_start3A_445 = arith.constant 0 : i32
      %dma_start3A_446 = tpu.memref_slice %dma_start3A_443[%dma_start3A_444, %dma_start3A_445] : memref<128x128xf32, #tpu.memory_space<vmem_shared>> -> memref<128x128xf32, #tpu.memory_space<vmem_shared>>
      tpu.enqueue_indirect_dma source(%dma_start3A_446 : memref<128x128xf32, #tpu.memory_space<vmem_shared>>) target(%dma_start3A_436 : memref<128x128xf32, #tpu.memory_space<vmem>>) offsets(%dma_start3A_439 : memref<128xi32, #tpu.memory_space<vmem>>) semaphore(%arg11 : memref<!tpu.dma_semaphore, #tpu.memory_space<semaphore_mem>>)
      %mul3A_447 = arith.constant 2 : i32
      %mul3A_448 = arith.muli %add3A_399, %mul3A_447 : i32
      %add3A_449 = arith.constant 1 : i32
      %add3A_450 = arith.addi %mul3A_448, %add3A_449 : i32
      %dma_start3A_451 = arith.constant 1 : i32
      %dma_start3A_452 = arith.constant 128 : i32
      %dma_start3A_453 = arith.constant 0 : i32
      %dma_start3A_454 = tpu.memref_slice %arg7[%dma_start3A_452, %dma_start3A_453] : memref<256x128xf32, #tpu.memory_space<vmem>> -> memref<128x128xf32, #tpu.memory_space<vmem>>
      %dma_start3A_455 = arith.constant 0 : i32
      %dma_start3A_456 = tpu.memref_slice %arg5[%add3A_450, %dma_start3A_455] : memref<128x128xi32, #tpu.memory_space<vmem>> -> memref<1x128xi32, #tpu.memory_space<vmem>>
      %dma_start3A_457 = tpu.memref_squeeze %dma_start3A_456 : memref<1x128xi32, #tpu.memory_space<vmem>> -> memref<128xi32, #tpu.memory_space<vmem>>
      %dma_start3A_458 = arith.constant 0 : i32
      %dma_start3A_459 = arith.constant 0 : i32
      %dma_start3A_460 = tpu.memref_slice %arg8[%arg1, %dma_start3A_451, %dma_start3A_458, %dma_start3A_459] : memref<16x2x128x128xf32, #tpu.memory_space<vmem_shared>> -> memref<1x1x128x128xf32, #tpu.memory_space<vmem_shared>>
      %dma_start3A_461 = tpu.memref_squeeze %dma_start3A_460 : memref<1x1x128x128xf32, #tpu.memory_space<vmem_shared>> -> memref<128x128xf32, #tpu.memory_space<vmem_shared>>
      %dma_start3A_462 = arith.constant 0 : i32
      %dma_start3A_463 = arith.constant 0 : i32
      %dma_start3A_464 = tpu.memref_slice %dma_start3A_461[%dma_start3A_462, %dma_start3A_463] : memref<128x128xf32, #tpu.memory_space<vmem_shared>> -> memref<128x128xf32, #tpu.memory_space<vmem_shared>>
      tpu.enqueue_indirect_dma source(%dma_start3A_464 : memref<128x128xf32, #tpu.memory_space<vmem_shared>>) target(%dma_start3A_454 : memref<128x128xf32, #tpu.memory_space<vmem>>) offsets(%dma_start3A_457 : memref<128xi32, #tpu.memory_space<vmem>>) semaphore(%arg12 : memref<!tpu.dma_semaphore, #tpu.memory_space<semaphore_mem>>)
      %mul3A_465 = arith.constant 2 : i32
      %mul3A_466 = arith.muli %add3A_399, %mul3A_465 : i32
      %add3A_467 = arith.constant 0 : i32
      %add3A_468 = arith.addi %mul3A_466, %add3A_467 : i32
      %dma_wait3A_469 = arith.constant 1 : i32
      %dma_wait3A_470 = arith.constant 0 : i32
      %dma_wait3A_471 = arith.constant 0 : i32
      %dma_wait3A_472 = tpu.memref_slice %arg7[%dma_wait3A_470, %dma_wait3A_471] : memref<256x128xf32, #tpu.memory_space<vmem>> -> memref<128x128xf32, #tpu.memory_space<vmem>>
      %dma_wait3A_473 = arith.constant 0 : i32
      %dma_wait3A_474 = tpu.memref_slice %arg5[%add3A_468, %dma_wait3A_473] : memref<128x128xi32, #tpu.memory_space<vmem>> -> memref<1x128xi32, #tpu.memory_space<vmem>>
      %dma_wait3A_475 = tpu.memref_squeeze %dma_wait3A_474 : memref<1x128xi32, #tpu.memory_space<vmem>> -> memref<128xi32, #tpu.memory_space<vmem>>
      %dma_wait3A_476 = arith.constant 0 : i32
      %dma_wait3A_477 = arith.constant 0 : i32
      %dma_wait3A_478 = tpu.memref_slice %arg8[%arg1, %dma_wait3A_469, %dma_wait3A_476, %dma_wait3A_477] : memref<16x2x128x128xf32, #tpu.memory_space<vmem_shared>> -> memref<1x1x128x128xf32, #tpu.memory_space<vmem_shared>>
      %dma_wait3A_479 = tpu.memref_squeeze %dma_wait3A_478 : memref<1x1x128x128xf32, #tpu.memory_space<vmem_shared>> -> memref<128x128xf32, #tpu.memory_space<vmem_shared>>
      %dma_wait3A_480 = arith.constant 0 : i32
      %dma_wait3A_481 = arith.constant 0 : i32
      %dma_wait3A_482 = tpu.memref_slice %dma_wait3A_479[%dma_wait3A_480, %dma_wait3A_481] : memref<128x128xf32, #tpu.memory_space<vmem_shared>> -> memref<128x128xf32, #tpu.memory_space<vmem_shared>>
      tpu.wait_indirect_dma semaphore(%arg11 : memref<!tpu.dma_semaphore, #tpu.memory_space<semaphore_mem>>) src(%dma_wait3A_482 : memref<128x128xf32, #tpu.memory_space<vmem_shared>>) dst(%dma_wait3A_472 : memref<128x128xf32, #tpu.memory_space<vmem>>)
      %mul3A_483 = arith.constant 2 : i32
      %mul3A_484 = arith.muli %add3A_399, %mul3A_483 : i32
      %add3A_485 = arith.constant 1 : i32
      %add3A_486 = arith.addi %mul3A_484, %add3A_485 : i32
      %dma_wait3A_487 = arith.constant 1 : i32
      %dma_wait3A_488 = arith.constant 128 : i32
      %dma_wait3A_489 = arith.constant 0 : i32
      %dma_wait3A_490 = tpu.memref_slice %arg7[%dma_wait3A_488, %dma_wait3A_489] : memref<256x128xf32, #tpu.memory_space<vmem>> -> memref<128x128xf32, #tpu.memory_space<vmem>>
      %dma_wait3A_491 = arith.constant 0 : i32
      %dma_wait3A_492 = tpu.memref_slice %arg5[%add3A_486, %dma_wait3A_491] : memref<128x128xi32, #tpu.memory_space<vmem>> -> memref<1x128xi32, #tpu.memory_space<vmem>>
      %dma_wait3A_493 = tpu.memref_squeeze %dma_wait3A_492 : memref<1x128xi32, #tpu.memory_space<vmem>> -> memref<128xi32, #tpu.memory_space<vmem>>
      %dma_wait3A_494 = arith.constant 0 : i32
      %dma_wait3A_495 = arith.constant 0 : i32
      %dma_wait3A_496 = tpu.memref_slice %arg8[%arg1, %dma_wait3A_487, %dma_wait3A_494, %dma_wait3A_495] : memref<16x2x128x128xf32, #tpu.memory_space<vmem_shared>> -> memref<1x1x128x128xf32, #tpu.memory_space<vmem_shared>>
      %dma_wait3A_497 = tpu.memref_squeeze %dma_wait3A_496 : memref<1x1x128x128xf32, #tpu.memory_space<vmem_shared>> -> memref<128x128xf32, #tpu.memory_space<vmem_shared>>
      %dma_wait3A_498 = arith.constant 0 : i32
      %dma_wait3A_499 = arith.constant 0 : i32
      %dma_wait3A_500 = tpu.memref_slice %dma_wait3A_497[%dma_wait3A_498, %dma_wait3A_499] : memref<128x128xf32, #tpu.memory_space<vmem_shared>> -> memref<128x128xf32, #tpu.memory_space<vmem_shared>>
      tpu.wait_indirect_dma semaphore(%arg12 : memref<!tpu.dma_semaphore, #tpu.memory_space<semaphore_mem>>) src(%dma_wait3A_500 : memref<128x128xf32, #tpu.memory_space<vmem_shared>>) dst(%dma_wait3A_490 : memref<128x128xf32, #tpu.memory_space<vmem>>)
      %mul3A_501 = arith.constant 256 : i32
      %mul3A_502 = arith.muli %add3A_399, %mul3A_501 : i32
      %add3A_503 = arith.addi %mul3A_4, %mul3A_502 : i32
      %dma_start3A_504 = arith.constant 0 : i32
      %dma_start3A_505 = tpu.memref_slice %arg4[%add3A_503, %dma_start3A_504] : memref<524288x128xf32, #tpu.memory_space<hbm>> -> memref<256x128xf32, #tpu.memory_space<hbm>>
      %dma_start3A_506 = arith.constant 0 : i32
      %dma_start3A_507 = tpu.memref_slice %arg4[%add3A_503, %dma_start3A_506] : memref<524288x128xf32, #tpu.memory_space<hbm>> -> memref<256x128xf32, #tpu.memory_space<hbm>>
      tpu.enqueue_dma source(%arg7 : memref<256x128xf32, #tpu.memory_space<vmem>>) target(%dma_start3A_507 : memref<256x128xf32, #tpu.memory_space<hbm>>) target_semaphore(%arg14 : memref<!tpu.dma_semaphore, #tpu.memory_space<semaphore_mem>>)
      %add3A_508 = arith.constant 2 : i32
      %add3A_509 = arith.addi %select_n3A_423, %add3A_508 : i32
      %lt3A_510 = arith.constant 32 : i32
      %lt3A_511 = arith.cmpi slt, %add3A_509, %lt3A_510 : i32
      %convert_element_type3A_512 = arith.extui %lt3A_511 : i1 to i32
      %cond3A_513 = arith.constant 0 : i32
      %cond3A_514 = arith.cmpi ne, %convert_element_type3A_512, %cond3A_513 : i32
      scf.if %cond3A_514 {
        %add3A_515 = arith.constant 2 : i32
        %add3A_516 = arith.addi %select_n3A_423, %add3A_515 : i32
        %add3A_517 = arith.addi %mul3A_6, %add3A_516 : i32
        %dma_start3A_518 = arith.constant 1 : i32
        %dma_start3A_519 = arith.constant 0 : i32
        %dma_start3A_520 = arith.constant 0 : i32
        %dma_start3A_521 = tpu.memref_slice %arg8[%arg1, %dma_start3A_518, %dma_start3A_519, %dma_start3A_520] : memref<16x2x128x128xf32, #tpu.memory_space<vmem_shared>> -> memref<1x1x128x128xf32, #tpu.memory_space<vmem_shared>>
        %dma_start3A_522 = tpu.memref_squeeze %dma_start3A_521 : memref<1x1x128x128xf32, #tpu.memory_space<vmem_shared>> -> memref<128x128xf32, #tpu.memory_space<vmem_shared>>
        %dma_start3A_523 = arith.constant 0 : i32
        %dma_start3A_524 = arith.constant 0 : i32
        %dma_start3A_525 = tpu.memref_slice %arg2[%add3A_517, %dma_start3A_523, %dma_start3A_524] : memref<1024x128x128xf32, #tpu.memory_space<hbm>> -> memref<1x128x128xf32, #tpu.memory_space<hbm>>
        %dma_start3A_526 = tpu.memref_squeeze %dma_start3A_525 : memref<1x128x128xf32, #tpu.memory_space<hbm>> -> memref<128x128xf32, #tpu.memory_space<hbm>>
        tpu.enqueue_dma source(%dma_start3A_526 : memref<128x128xf32, #tpu.memory_space<hbm>>) target(%dma_start3A_522 : memref<128x128xf32, #tpu.memory_space<vmem_shared>>) target_semaphore(%arg16 : memref<!tpu.dma_semaphore, #tpu.memory_space<semaphore_mem>>)
      } else {
      }
    }
    %scan3A_32 = arith.constant 16 : i32
    %add3A_33 = arith.constant 15872 : i32
    %add3A_34 = arith.addi %mul3A_4, %add3A_33 : i32
    %dma_wait3A = arith.constant 0 : i32
    %dma_wait3A_35 = tpu.memref_slice %arg4[%add3A_34, %dma_wait3A] : memref<524288x128xf32, #tpu.memory_space<hbm>> -> memref<256x128xf32, #tpu.memory_space<hbm>>
    %dma_wait3A_36 = arith.constant 0 : i32
    %dma_wait3A_37 = tpu.memref_slice %arg4[%add3A_34, %dma_wait3A_36] : memref<524288x128xf32, #tpu.memory_space<hbm>> -> memref<256x128xf32, #tpu.memory_space<hbm>>
    tpu.wait_dma2 semaphore(%arg13 : memref<!tpu.dma_semaphore, #tpu.memory_space<semaphore_mem>>) src(%arg6 : memref<256x128xf32, #tpu.memory_space<vmem>>) dst(%dma_wait3A_37 : memref<256x128xf32, #tpu.memory_space<hbm>>)
    %add3A_38 = arith.constant 16128 : i32
    %add3A_39 = arith.addi %mul3A_4, %add3A_38 : i32
    %dma_wait3A_40 = arith.constant 0 : i32
    %dma_wait3A_41 = tpu.memref_slice %arg4[%add3A_39, %dma_wait3A_40] : memref<524288x128xf32, #tpu.memory_space<hbm>> -> memref<256x128xf32, #tpu.memory_space<hbm>>
    %dma_wait3A_42 = arith.constant 0 : i32
    %dma_wait3A_43 = tpu.memref_slice %arg4[%add3A_39, %dma_wait3A_42] : memref<524288x128xf32, #tpu.memory_space<hbm>> -> memref<256x128xf32, #tpu.memory_space<hbm>>
    tpu.wait_dma2 semaphore(%arg14 : memref<!tpu.dma_semaphore, #tpu.memory_space<semaphore_mem>>) src(%arg7 : memref<256x128xf32, #tpu.memory_space<vmem>>) dst(%dma_wait3A_43 : memref<256x128xf32, #tpu.memory_space<hbm>>)
    return
  }
}

</mosaic_0001>

<sc_bundles>
// kernel: kernel.3.cloned.1.call-start
scs
__scs_entry_jumppad:
0x0: {  	(pc) =	sbr.rel $0x88, $3  }
0x1: {  	(tag) =	ssettag $0x0;
	lr =	simm.s32 $0x1  }
0x2: {  	[smem:$0x3F9F] =	sst lr;
	_ =	strace $0xD0000000  }
0x3: {  	_ = 	snop  }
0x4: {  	_ = 	snop  }
0x5: {  	_ = 	snop  }
0x6: {  	_ = 	snop  }
0x7: {  	_ = 	snop  }
__scs_overlays_trampoline_lowered:
0x8: {  	[smem:$0x3FAE] =	sst s0  }
0x9: {  	[smem:$0x3FAF] =	sst s1  }
0xa: {  	[smem:$0x3FB0] =	sst s2  }
0xb: {  	[smem:$0x3FB1] =	sst s3  }
0xc: {  	[smem:$0x3FB2] =	sst s4  }
0xd: {  	[smem:$0x3FB3] =	sst s5  }
0xe: {  	[smem:$0x3FB4] =	sst s6  }
0xf: {  	[smem:$0x3FB5] =	sst s7  }
0x10: {  	[smem:$0x3FB6] =	sst s8  }
0x11: {  	[smem:$0x3FB7] =	sst s9;
	s0 =	simm.s32 @!p0 $0x0  }
0x12: {  	s1 =	sld [smem:$0x3F9D];
	s0 =	simm.s32 @p0 $0x1  }
0x13: {  	[smem:$0x3FB8] =	sst s0;
	s0 =	simm.s32 @!p1 $0x0  }
0x14: {  	s2 =	sld [smem:$0x3F9C];
	s0 =	simm.s32 @p1 $0x1  }
0x15: {  	[smem:$0x3FB9] =	sst s0;
	s0 =	simm.s32 @!p2 $0x0  }
0x16: {  	s3 =	sld [smem:$0x3FDB];
	s0 =	simm.s32 @p2 $0x1  }
0x17: {  	s4 =	simm.s32 $0x1BF5;
	[smem:$0x3FBB] =	sst s0  }
0x18: {  	s0 =	sld [smem:$0x3F9E];
	_ =	swait.ge [sflag:s4], $0x0  }
0x19: {  	s7 =	sld [smem:$0x3F9F]  }
0x1a: {  	s8 =	sadd.s32 $0xFFFFE003, lr  }
0x1b: {  	s9 =	sadd.s32 $0xFFFFFEF7, lr;
	s5 =	simm.s32 $0xFFFFFFFF;
	p2 =	slt.u32 s8, $0xFFFFF086  }
0x1c: {  	p1 =	slt.u32 s9, $0xF7A;
	s5 =	simm.s32 @!p2 $0x0  }
0x1d: {  	s5 =	simm.s32 @p1 $0x1;
	p0 =	seq.s32 s7, s2  }
0x1e: {  	s7 =	smul.u32 @!p0 $0xF7A, s2;
	p2 =	seq.s32 @!p0 s5, $0x0  }
0x1f: {  	s9 =	smul.u32 $0xF7A, s1;
	s8 =	simm.s32 @!p0 $0x1BF5;
	p2 =	por !p2, p0  }
0x20: {  	[sflag:s8] =	ssyncset.s32 @!p0 $0xFFFFF086;
	s6 =	sadd.s32 @!p0 s3, s7;
	s7 =	simm.s32 @!p0 $0x108  }
0x21: {  	s3 =	sadd.s32 s3, s9;
	s6 =	sadd.s32 @!p0 $0x88, s6;
	s7 =	simm.s32 @p2 $0x1082  }
0x22: {  	[simem:s7], [sflag:s8] =	dma.local @!p0 [hbm:s6], $0xF7A  }
0x23: {  	s9 =	sor.u32 $0xD0000000, s2;
	s6 =	simm.s32 $0x108;
	_ =	swait.ge @!p0 [sflag:s8], $0x0  }
0x24: {  	s3 =	sadd.s32 $0x88, s3;
	s6 =	simm.s32 @!p1 $0x1082;
	[sflag:s4] =	ssyncset.s32 $0xFFFFF086  }
0x25: {  	[simem:s6], [sflag:s4] =	dma.local [hbm:s3], $0xF7A  }
0x26: {  	[smem:$0x3F9F] =	sst s1;
	(tag) =	ssettag s2;
	_ =	strace s9  }
0x27: {  	s1 =	sld [smem:$0x3FAF]  }
0x28: {  	s2 =	sld [smem:$0x3FB0]  }
0x29: {  	s4 =	sld [smem:$0x3FB2]  }
0x2a: {  	p0 =	seq.s32 s5, $0x0;
	s5 =	sld [smem:$0x3FB3]  }
0x2b: {  	s6 =	sld [smem:$0x3FB4]  }
0x2c: {  	s7 =	sld [smem:$0x3FB5]  }
0x2d: {  	s3 =	simm.s32 $0x108;
	s8 =	sld [smem:$0x3FB6]  }
0x2e: {  	s3 =	simm.s32 @!p0 $0x1082;
	s9 =	sld [smem:$0x3FB7]  }
0x2f: {  	lr =	sadd.s32 s0, s3;
	s0 =	sld [smem:$0x3FAE]  }
0x30: {  	s3 =	sld [smem:$0x3FB1]  }
0x31: {  	[smem:$0x3FBA] =	sst s10  }
0x32: {  	s10 =	sld [smem:$0x3FB8];
	_ =	sdelay $0x3  }
0x33: {  	p0 =	seq.s32 s10, $0x1;
	s10 =	sld [smem:$0x3FBA];
	_ =	sdelay $0x3  }
0x34: {  	[smem:$0x3FBA] =	sst s10  }
0x35: {  	s10 =	sld [smem:$0x3FB9];
	_ =	sdelay $0x3  }
0x36: {  	p1 =	seq.s32 s10, $0x1;
	s10 =	sld [smem:$0x3FBA];
	_ =	sdelay $0x3  }
0x37: {  	[smem:$0x3FBA] =	sst s10  }
0x38: {  	s10 =	sld [smem:$0x3FBB]  }
0x39: {  	_ = 	snop;
	(pc) =	sbr.ind lr, $3  }
0x3a: {  	_ = 	snop  }
0x3b: {  	_ = 	snop  }
0x3c: {  	p2 =	seq.s32 s10, $0x1;
	s10 =	sld [smem:$0x3FBA]  }
0x3d: {  	_ =	shalt  }
0x3e: {  	_ =	shalt  }
0x3f: {  	_ =	shalt  }
0x40: {  	_ =	shalt  }
0x41: {  	_ =	shalt  }
0x42: {  	_ =	shalt  }
0x43: {  	_ =	shalt  }
0x44: {  	_ =	shalt  }
0x45: {  	_ =	shalt  }
0x46: {  	_ =	shalt  }
0x47: {  	_ =	shalt  }
0x48: {  	_ =	shalt  }
0x49: {  	_ =	shalt  }
0x4a: {  	_ =	shalt  }
0x4b: {  	_ =	shalt  }
0x4c: {  	_ =	shalt  }
0x4d: {  	_ =	shalt  }
0x4e: {  	_ =	shalt  }
0x4f: {  	_ =	shalt  }
0x50: {  	_ =	shalt  }
0x51: {  	_ =	shalt  }
0x52: {  	_ =	shalt  }
0x53: {  	_ =	shalt  }
0x54: {  	_ =	shalt  }
0x55: {  	_ =	shalt  }
0x56: {  	_ =	shalt  }
0x57: {  	_ =	shalt  }
0x58: {  	_ =	shalt  }
0x59: {  	_ =	shalt  }
0x5a: {  	_ =	shalt  }
0x5b: {  	_ =	shalt  }
0x5c: {  	_ =	shalt  }
0x5d: {  	_ =	shalt  }
0x5e: {  	_ =	shalt  }
0x5f: {  	_ =	shalt  }
0x60: {  	_ =	shalt  }
0x61: {  	_ =	shalt  }
0x62: {  	_ =	shalt  }
0x63: {  	_ =	shalt  }
0x64: {  	_ =	shalt  }
0x65: {  	_ =	shalt  }
0x66: {  	_ =	shalt  }
0x67: {  	_ =	shalt  }
0x68: {  	_ =	shalt  }
0x69: {  	_ =	shalt  }
0x6a: {  	_ =	shalt  }
0x6b: {  	_ =	shalt  }
0x6c: {  	_ =	shalt  }
0x6d: {  	_ =	shalt  }
0x6e: {  	_ =	shalt  }
0x6f: {  	_ =	shalt  }
0x70: {  	_ =	shalt  }
0x71: {  	_ =	shalt  }
0x72: {  	_ =	shalt  }
0x73: {  	_ =	shalt  }
0x74: {  	_ =	shalt  }
0x75: {  	_ =	shalt  }
0x76: {  	_ =	shalt  }
0x77: {  	_ =	shalt  }
0x78: {  	_ =	shalt  }
0x79: {  	_ =	shalt  }
0x7a: {  	_ =	shalt  }
0x7b: {  	_ =	shalt  }
0x7c: {  	_ =	shalt  }
0x7d: {  	_ =	shalt  }
0x7e: {  	_ =	shalt  }
0x7f: {  	_ =	shalt  }
0x80: {  	_ =	shalt  }
0x81: {  	_ =	shalt  }
0x82: {  	_ =	shalt  }
0x83: {  	_ =	shalt  }
0x84: {  	_ =	shalt  }
0x85: {  	_ =	shalt  }
0x86: {  	_ =	shalt  }
0x87: {  	_ =	shalt  }
.Lfunc_end0:
.L_simem_size_0:
called_computation_lowered:
.L_overlay_start_0:
0x88: {  	s2 =	sld [smem:$0x3FD9]  }
0x89: {  	s3 =	sld [smem:$0x3FFE];
	_ =	sdelay $0x1  }
0x8a: {  	s1 =	srdreg.scid  }
0x8b: {  	s0 =	sand.u32 $0x1, s1  }
0x8c: {  	s17 =	sshll.u32 s0, $0xA;
	s2 =	sadd.s32 s3, s2  }
0x8d: {  	s2 =	sadd.s32 s2, s17  }
0x8e: {  	[smem:$0x3FC6] =	sst s2  }
0x8f: {  	_ = 	snop  }
0x90: {  	s2 =	sld [smem:$0x3FC9];
	(tm) =	ssettm $0x1  }
0x91: {  	s18 =	sld [smem:$0x3FFB];
	_ =	sdelay $0x3  }
0x92: {  	_ =	strace s18  }
0x93: {  	s3 =	sld [smem:$0x3FFC];
	_ =	sdelay $0x3  }
0x94: {  	_ =	strace s3  }
0x95: {  	s3 =	sld [smem:$0x3FFD];
	_ =	sdelay $0x3  }
0x96: {  	_ =	strace s3  }
0x97: {  	_ =	strace $0x8FFFFFFF  }
0x98: {  	s19 =	sld [smem:$0x3FDB];
	_ =	sdelay $0x1  }
0x99: {  	s4 =	simm.s32 $_scs_section_size  }
0x9a: {  	s5 =	simm.s32 $_size__tile_overlayer_lowered;
	s6 =	simm.s32 $_tile_overlayer_lowered  }
0x9b: {  	s22 =	simm.s32 $0x1BFF;
	s21 =	sshll.u32 s6, $0x1;
	s3 =	sadd.s32 s4, s19  }
0x9c: {  	s7 =	simm.s32 $0x0;
	s20 =	sshll.u32 s5, $0x1;
	s5 =	sadd.s32 s21, s3  }
0x9d: {  	[timem:s7], [sflag:s22] =	dma.local [hbm:s5], s20  }
0x9e: {  	_ =	swait.ge [sflag:s22], s20  }
0x9f: {  	s4 =	ssub.s32 $0x0, s20;
	[sflag:s22] =	ssyncset.done $0x0  }
0xa0: {  	[sflag:s22] =	ssyncadd.s32 s4;
	_ =	sdelay $0x1  }
0xa1: {  	s23 =	simm.s32 $0x1B8B  }
0xa2: {  	_ =	swait.ge [sflag:s23], $0x1  }
0xa3: {  	[sflag:s23] =	ssyncset.done $0x0  }
0xa4: {  	s25 =	simm.s32 $0x1B8E;
	s24 =	sld [smem:$0x3FFE];
	[sflag:s23] =	ssyncadd.s32 $0xFFFFFFFF  }
0xa5: {  	s26 =	simm.s32 $execute0_lowered;
	[smem:$0x3FD2] =	sst s25  }
0xa6: {  	s5 =	sshll.u32 s26, $0x1;
	_ =	strace $0x80000046;
	[dreg:$0x1] =	wrdreg $0xFFFFFFFF  }
0xa7: {  	s28 =	simm.s32 $_size_execute0_lowered;
	s3 =	sadd.s32 s3, s5;
	[dreg:$0x0] =	wrdreg $0x0  }
0xa8: {  	s5 =	sshll.u32 s28, $0x1;
	[dreg:$0x2] =	wrdreg s3  }
0xa9: {  	[dreg:$0x3] =	wrdreg s5  }
0xaa: {  	[dreg:$0x4] =	wrdreg $0xC0  }
0xab: {  	_ =	task [dreg:s7], $0x5FFFF  }
0xac: {  	[dreg:$0x1] =	wrdreg $0xFFFFFFFF  }
0xad: {  	[dreg:$0x0] =	wrdreg $0x60  }
0xae: {  	[dreg:$0x2] =	wrdreg s2  }
0xaf: {  	[dreg:$0x3] =	wrdreg s24  }
0xb0: {  	[dreg:$0x4] =	wrdreg $0x140000  }
0xb1: {  	[dreg:$0x5] =	wrdreg $0x9  }
0xb2: {  	_ =	task.clear_ibuf [dreg:s7], $0x6FFFF;
	_ =	strace $0x90000046  }
0xb3: {  	s29 =	simm.s32 $0x9;
	_ =	strace $0x80000048  }
0xb4: {  	_ =	swait.ge [sflag:s29], $0x1  }
0xb5: {  	[sflag:s29] =	ssyncadd.s32 $0xFFFFFFFF  }
0xb6: {  	_ =	strace $0x90000048  }
0xb7: {  	_ =	sfence  }
0xb8: {  	s30 =	sld [smem:$0x0];
	_ =	sdelay $0x2  }
0xb9: {  	s31 =	sshll.u32 s1, $0xD;
	s1 =	sshrl.u32 s1, $0x2  }
0xba: {  	s3 =	sand.u32 $0x4000, s31;
	s1 =	sadd.s32 s1, s30  }
0xbb: {  	s0 =	sor.u32 s3, s0;
	s1 =	sshll.u32 s1, $0x11  }
0xbc: {  	s0 =	sor.u32 s1, s0  }
0xbd: {  	s0 =	sadd.s32 $0x8F2B, s0  }
0xbe: {  	[sflag:s0] =	ssyncadd.remote.s32 $0x1  }
0xbf: {  	_ =	sfence.sel $0xFFFF  }
0xc0: {  	[dreg:$0x0] =	wrdreg $0xFFFFFFFF;
	(pc) =	sbr.abs _section_cstart, $3  }
0xc1: {  	[dreg:$0x1] =	wrdreg $0xFFFFFFFF  }
0xc2: {  	_ =	task.clear_ibuf [dreg:s7], $0x2FFFF;
	_ =	strace $0x9FFFFFFF  }
0xc3: {  	(tm) =	ssettm $0x7FFFFFFF  }
tec
execute0_lowered:
.L_overlay_start_1:
0x0: {  	(tag) =	ssettag $0x1  }
0x1: {  	s0 =	rddreg [dreg:$0x0]  }
0x2: {  	s1 =	rddreg [dreg:$0x1]  }
0x3: {  	s3 =	rddreg [dreg:$0x2];
	s4 =	srdreg.scid  }
0x4: {  	s7 =	stileid.u32;
	s2 =	simm.s32 $0x0;
	s16 =	simm.s32 $0x9  }
0x5: {  	s17 =	simm.s32 $0x7;
	s18 =	simm.s32 $0x80;
	s19 =	simm.s32 $0x4000  }
0x6: {  	s20 =	simm.s32 $0x8000;
	s28 =	simm.s32 $0x8;
	s29 =	simm.s32 $0x5  }
0x7: {  	s30 =	simm.s32 $0x6;
	s31 =	simm.s32 $0x0;
	s10 =	sand.u32 $0x1, s4  }
0x8: {  	s21 =	sshll.u32 s7, $0x1;
	[smem:$0x7FF] =	sst s2;
	s22 =	sshll.u32 s7, $0x13  }
0x9: {  	s11 =	sshll.u32 s7, $0x11;
	s14 =	sshll.u32 s7, $0x6;
	s4 =	sor.u32 s10, s21  }
0xa: {  	_ =	strace $0x80000047;
	s6 =	ssub.s32 $0x2, s10;
	s24 =	sshrl.u32 s11, $0x2  }
0xb: {  	s12 =	sshll.u32 s10, $0x10;
	s10 =	sshll.u32 s10, $0x12;
	s13 =	sadd.s32 s11, s0  }
0xc: {  	s21 =	simm.s32 $0x1;
	s5 =	sshll.u32 s4, $0xB;
	s23 =	sshrl.u32 s6, $0x1  }
0xd: {  	s4 =	sshll.u32 s4, $0x10;
	s3 =	sadd.s32 s24, s3;
	s11 =	sor.u32 s11, s12  }
0xe: {  	s26 =	sadd.s32 s12, s13;
	s24 =	simm.s32 $0x10000;
	s8 =	sadd.s32 s5, s1  }
0xf: {  	s1 =	sadd.s32 s22, s1;
	s9 =	ssub.s32 s6, s23;
	s4 =	sadd.s32 s0, s4  }
0x10: {  	s5 =	sor.u32 $0x1C07, s14;
	s6 =	sadd.s32 $0x4000, s3;
	s0 =	sadd.s32 s11, s0  }
0x11: {  	s11 =	sadd.s32 $0x1000, s26;
	s13 =	sshrl.u32 s3, $0x3;
	s14 =	sor.u32 $0x1C08, s14  }
.Ltmp0:
0x12: {  	s22 =	simm.s32 $0x2;
	s23 =	simm.s32 $0xC000;
	(pc) =	sbr.rel .LBB2_1-.Ltmp0, $4  }
0x13: {  	s26 =	simm.s32 $0x4;
	[dreg:$0x4] =	wrdreg s4;
	s4 =	sadd.s32 $0x800, s4  }
0x14: {  	s25 =	sadd.s32 $0x400, s8;
	s9 =	smax.u32 s9, $0x1;
	s1 =	sadd.s32 s10, s1  }
0x15: {  	s12 =	sadd.s32 $0x1800, s0;
	s15 =	sshrl.u32 s6, $0x3;
	[dreg:$0x5] =	wrdreg s4  }
0x16: {  	[dreg:$0x6] =	wrdreg s25;
	s1 =	sadd.s32 $0x10400, s1;
	s25 =	simm.s32 $0x3  }
.LBB2_4:
0x17: {  	s31 =	sadd.s32 $0x1, s31  }
0x18: {  	_ =	swait.ge [sflag:s29], $0x8000;
	p0 =	sne.s32 s31, s9  }
.Ltmp1:
0x19: {  	[sflag:s29] =	ssyncset.done $0x0;
	(pc) =	sbr.rel @!p0 .LBB2_5-.Ltmp1, $4  }
0x1a: {  	[sflag:s29] =	ssyncadd.s32 $0xFFFF8000  }
0x1b: {  	_ =	swait.ge [sflag:s30], $0x8000  }
0x1c: {  	[sflag:s30] =	ssyncset.done $0x0  }
0x1d: {  	[sflag:s30] =	ssyncadd.s32 $0xFFFF8000  }
.LBB2_1:
0x1e: {  	s0 =	rddreg [dreg:$0x4]  }
0x1f: {  	[spmem:s13], [sflag:s5] =	dma.local [hbm:s0], $0x800  }
0x20: {  	s0 =	rddreg [dreg:$0x5]  }
0x21: {  	[spmem:s15], [sflag:s14] =	dma.local [hbm:s0], $0x800  }
0x22: {  	s0 =	rddreg [dreg:$0x6]  }
0x23: {  	[tilespmem:s2], [sflag:$0x9] =	stream.linear.gather [hbm4b:s0+s2], $0x4000, $0x38;
	[tilespmem:$0x1C000] =	vst v63  }
0x24: {  	_ =	swait.ge [sflag:s16], $0x4000  }
0x25: {  	[sflag:s16] =	ssyncset.done $0x0  }
0x26: {  	s10 =	smov.u32 s1;
	s0 =	simm.s32 $0x0;
	[sflag:s16] =	ssyncadd.s32 $0xFFFFC000  }
.LBB2_2:
0x27: {  	_ =	swait.ge [sflag:s17], $0x800  }
0x28: {  	p0 =	seq.s32 s0, $0x0;
	[sflag:s17] =	ssyncset.done $0x0  }
0x29: {  	s7 =	simm.s32 @!p0 $0x5;
	[sflag:s17] =	ssyncadd.s32 $0xFFFFF800  }
0x2a: {  	_ =	swait.ge @!p0 [sflag:s7], $0x8000  }
0x2b: {  	[sflag:s7] =	ssyncset.done @!p0 $0x0  }
0x2c: {  	[sflag:s7] =	ssyncadd.s32 @!p0 $0xFFFF8000;
	s7 =	sshra.s32 s0, $0x2  }
0x2d: {  	[tilespmem:s19], [sflag:$0x1] =	stream.indirect.gather [spmem:s3], $0x80, s7, s18, $0xb8;
	[tilespmem:$0x1C000] =	vst v63  }
0x2e: {  	s4 =	sadd.s32 $0x80, s7  }
0x2f: {  	[tilespmem:s20], [sflag:$0x2] =	stream.indirect.gather [spmem:s3], $0x80, s4, s18, $0xb8;
	[tilespmem:$0x1C000] =	vst v63  }
0x30: {  	_ =	swait.ge [sflag:s21], $0x4000  }
0x31: {  	[sflag:s21] =	ssyncset.done $0x0  }
0x32: {  	[sflag:s21] =	ssyncadd.s32 $0xFFFFC000  }
0x33: {  	_ =	swait.ge [sflag:s22], $0x4000  }
0x34: {  	[sflag:s22] =	ssyncset.done $0x0  }
0x35: {  	s4 =	simm.s32 @!p0 $0x6;
	[sflag:s22] =	ssyncadd.s32 $0xFFFFC000  }
0x36: {  	[hbm4b:s10+s2] =	stream.linear.scatter [tilespmem:s19], [sflag:$0x5], $0x8000, $0x38;
	[tilespmem:$0x1C000] =	vst v63  }
0x37: {  	_ =	swait.ge @!p0 [sflag:s4], $0x8000  }
0x38: {  	[sflag:s4] =	ssyncset.done @!p0 $0x0  }
0x39: {  	s8 =	sadd.s32 $0x100, s7;
	[sflag:s4] =	ssyncadd.s32 @!p0 $0xFFFF8000  }
0x3a: {  	[tilespmem:s23], [sflag:$0x3] =	stream.indirect.gather [spmem:s3], $0x80, s8, s18, $0xb8;
	[tilespmem:$0x1C000] =	vst v63  }
0x3b: {  	s8 =	sadd.s32 $0x180, s7  }
0x3c: {  	[tilespmem:s24], [sflag:$0x4] =	stream.indirect.gather [spmem:s3], $0x80, s8, s18, $0xb8;
	[tilespmem:$0x1C000] =	vst v63  }
0x3d: {  	_ =	swait.ge [sflag:s25], $0x4000  }
0x3e: {  	[sflag:s25] =	ssyncset.done $0x0  }
0x3f: {  	[sflag:s25] =	ssyncadd.s32 $0xFFFFC000  }
0x40: {  	_ =	swait.ge [sflag:s26], $0x4000  }
0x41: {  	[sflag:s26] =	ssyncset.done $0x0  }
0x42: {  	p0 =	seq.s32 s0, $0xF000;
	s8 =	sadd.s32 $0x1000, s10;
	[sflag:s26] =	ssyncadd.s32 $0xFFFFC000  }
0x43: {  	[hbm4b:s8+s2] =	stream.linear.scatter [tilespmem:s23], [sflag:$0x6], $0x8000, $0x38;
	[tilespmem:$0x1C000] =	vst v63  }
0x44: {  	s4 =	sadd.s32 @!p0 s0, s11;
	s8 =	sshrl.u32 @!p0 s3, $0x3  }
0x45: {  	[spmem:s8], [sflag:s5] =	dma.local @!p0 [hbm:s4], $0x800  }
0x46: {  	_ =	swait.ge [sflag:s28], $0x800  }
0x47: {  	[sflag:s28] =	ssyncset.done $0x0  }
0x48: {  	[sflag:s28] =	ssyncadd.s32 $0xFFFFF800  }
0x49: {  	_ =	swait.ge [sflag:s29], $0x8000  }
0x4a: {  	[sflag:s29] =	ssyncset.done $0x0  }
0x4b: {  	s8 =	sadd.s32 $0x200, s7;
	[sflag:s29] =	ssyncadd.s32 $0xFFFF8000  }
0x4c: {  	[tilespmem:s19], [sflag:$0x1] =	stream.indirect.gather [spmem:s6], $0x80, s8, s18, $0xb8;
	[tilespmem:$0x1C000] =	vst v63  }
0x4d: {  	s8 =	sadd.s32 $0x280, s7  }
0x4e: {  	[tilespmem:s20], [sflag:$0x2] =	stream.indirect.gather [spmem:s6], $0x80, s8, s18, $0xb8;
	[tilespmem:$0x1C000] =	vst v63  }
0x4f: {  	_ =	swait.ge [sflag:s21], $0x4000  }
0x50: {  	[sflag:s21] =	ssyncset.done $0x0  }
0x51: {  	[sflag:s21] =	ssyncadd.s32 $0xFFFFC000  }
0x52: {  	_ =	swait.ge [sflag:s22], $0x4000  }
0x53: {  	[sflag:s22] =	ssyncset.done $0x0  }
0x54: {  	s8 =	sadd.s32 $0x2000, s10;
	[sflag:s22] =	ssyncadd.s32 $0xFFFFC000  }
0x55: {  	[hbm4b:s8+s2] =	stream.linear.scatter [tilespmem:s19], [sflag:$0x5], $0x8000, $0x38;
	[tilespmem:$0x1C000] =	vst v63  }
0x56: {  	_ =	swait.ge [sflag:s30], $0x8000  }
0x57: {  	[sflag:s30] =	ssyncset.done $0x0  }
0x58: {  	s8 =	sadd.s32 $0x300, s7;
	[sflag:s30] =	ssyncadd.s32 $0xFFFF8000  }
0x59: {  	[tilespmem:s23], [sflag:$0x3] =	stream.indirect.gather [spmem:s6], $0x80, s8, s18, $0xb8;
	[tilespmem:$0x1C000] =	vst v63  }
0x5a: {  	s7 =	sadd.s32 $0x380, s7  }
0x5b: {  	[tilespmem:s24], [sflag:$0x4] =	stream.indirect.gather [spmem:s6], $0x80, s7, s18, $0xb8;
	[tilespmem:$0x1C000] =	vst v63  }
0x5c: {  	_ =	swait.ge [sflag:s25], $0x4000  }
0x5d: {  	[sflag:s25] =	ssyncset.done $0x0  }
.Ltmp2:
0x5e: {  	[sflag:s25] =	ssyncadd.s32 $0xFFFFC000;
	(pc) =	sbr.rel @p0 .LBB2_4-.Ltmp2, $4  }
0x5f: {  	_ =	swait.ge [sflag:s26], $0x4000  }
0x60: {  	[sflag:s26] =	ssyncset.done $0x0  }
0x61: {  	s8 =	sadd.s32 $0x3000, s10;
	[sflag:s26] =	ssyncadd.s32 $0xFFFFC000  }
0x62: {  	[hbm4b:s8+s2] =	stream.linear.scatter [tilespmem:s23], [sflag:$0x6], $0x8000, $0x38;
	[tilespmem:$0x1C000] =	vst v63  }
.Ltmp3:
0x63: {  	(pc) =	sbr.rel .LBB2_2-.Ltmp3, $3  }
0x64: {  	_ =	sdelay $0x1  }
0x65: {  	s4 =	sadd.s32 s0, s12;
	s10 =	sadd.s32 $0x4000, s10;
	s0 =	sadd.s32 $0x1000, s0  }
0x66: {  	[spmem:s15], [sflag:s14] =	dma.local [hbm:s4], $0x800  }
.LBB2_5:
0x67: {  	_ =	sfence.sel $0x180000  }
0x68: {  	[bflag:$0x0] =	sbarrier.arrive $0xFFFF  }
0x69: {  	_ =	strace $0x90000047  }
0x6a: {  	s0 =	stileid.u32;
	[bflag:$0x2] =	sbarrier.arrive $0xFFFF  }
0x6b: {  	p0 =	sne.s32 s0, $0x0;
	s0 =	rddreg [dreg:$0x3]  }
0x6c: {  	s0 =	sadd.s32 @!p0 $0x100000, s0  }
0x6d: {  	[sflag:s0] =	ssyncadd.tile.s32 @!p0 $0x1;
	_ =	shalt  }
.Lfunc_end2:
_tile_overlayer_lowered:
.L_overlay_start_2:
0x6e: {  	(tag) =	ssettag $0x2  }
0x6f: {  	s0 =	rddreg [dreg:$0x0];
	s2 =	stileid.u32  }
0x70: {  	s1 =	rddreg [dreg:$0x1];
	p0 =	sne.s32 s2, $0x0  }
0x71: {  	s3 =	rddreg [dreg:$0x2];
	[bflag:$0x3] =	sbarrier.arrive $0xFFFF;
	s2 =	simm.s32 @!p0 $0x1C09  }
0x72: {  	[timem:s3], [sflag:s2] =	dma.local @!p0 [hbm:s0], s1  }
0x73: {  	s0 =	simm.s32 @!p0 $0x9  }
0x74: {  	_ =	swait.ge @!p0 [sflag:s0], s1  }
0x75: {  	s1 =	ssub.s32 @!p0 $0x0, s1;
	[sflag:s0] =	ssyncset.done @!p0 $0x0  }
0x76: {  	[sflag:s0] =	ssyncadd.s32 @!p0 s1  }
0x77: {  	[bflag:$0x3] =	sbarrier.arrive $0xFFFF  }
0x78: {  	_ =	shalt  }

</sc_bundles>
